<compile_context>
chip_gen: v7x
topology: tpu7x:2x2x1
jax: 0.10.2.dev20260603
libtpu: 0.0.44.dev20260713+nightly
codegen_flags: <defaults>
</compile_context>

<pallas_src>
import functools

import jax
import jax.numpy as jnp
from jax import lax
from jax.experimental import pallas as pl
from jax.experimental.pallas import tpu as pltpu
from jax.experimental.pallas import tpu_sc as plsc

N = 10000
E = 320000
D = 128
A = 16

NC = 2
NS = 16
NW = NC * NS

CHUNK = 80
EPW = E // NW
NCH = EPW // CHUNK
RPT = 624
REM = N - NS * RPT

_SC_MESH = plsc.VectorSubcoreMesh(core_axis_name="c", subcore_axis_name="s")


@functools.partial(
    pl.kernel,
    out_type=jax.ShapeDtypeStruct((E, D), jnp.float32),
    mesh=_SC_MESH,
    scratch_types=[
        pltpu.VMEM((NCH, CHUNK), jnp.int32),
        pltpu.VMEM((CHUNK, D), jnp.float32),
        pltpu.VMEM((CHUNK, D), jnp.float32),
        pltpu.SemaphoreType.DMA,
        pltpu.SemaphoreType.DMA,
    ],
)
def _sc_gather(table_hbm, idx_hbm, out_hbm, idx_v, rows0, rows1, sem0, sem1):
    wid = lax.axis_index("c") * NS + lax.axis_index("s")
    ebase = wid * EPW
    pltpu.sync_copy(idx_hbm.at[wid], idx_v)

    def _gath(j, buf, sem):
        pltpu.async_copy(table_hbm.at[idx_v.at[j]], buf, sem)

    def _wait(j, buf, sem):
        pltpu.make_async_copy(table_hbm.at[idx_v.at[j]], buf, sem).wait()

    def _put(j, buf):
        pltpu.sync_copy(buf, out_hbm.at[pl.ds(ebase + j * CHUNK, CHUNK)])

    _gath(0, rows0, sem0)

    @pl.loop(0, NCH - 1, step=2)
    def _(j):
        _gath(j + 1, rows1, sem1)
        _wait(j, rows0, sem0)
        _put(j, rows0)
        _gath(j + 2, rows0, sem0)
        _wait(j + 1, rows1, sem1)
        _put(j + 1, rows1)

    _wait(NCH - 1, rows0, sem0)
    _put(NCH - 1, rows0)


@functools.partial(
    pl.kernel,
    out_type=jax.ShapeDtypeStruct((NC, N, D), jnp.float32),
    mesh=_SC_MESH,
    scratch_types=[
        pltpu.VMEM((NCH, CHUNK), jnp.int32),
        pltpu.VMEM((CHUNK, D), jnp.float32),
        pltpu.VMEM((CHUNK, D), jnp.float32),
        pltpu.VMEM_SHARED((N, D), jnp.float32),
        pltpu.SemaphoreType.DMA,
        pltpu.SemaphoreType.DMA,
    ],
)
def _sc_scatter(m_hbm, idx_hbm, zeros_hbm, out_hbm, idx_v, rows0, rows1, acc, sem0, sem1):
    c = lax.axis_index("c")
    s = lax.axis_index("s")
    wid = c * NS + s
    ebase = wid * EPW
    pltpu.sync_copy(idx_hbm.at[wid], idx_v)
    pltpu.sync_copy(zeros_hbm, acc.at[pl.ds(s * RPT, RPT)])

    @pl.when(s == 0)
    def _():
        pltpu.sync_copy(zeros_hbm.at[pl.ds(0, REM)], acc.at[pl.ds(NS * RPT, REM)])

    plsc.subcore_barrier()

    def _get(j, buf, sem):
        pltpu.async_copy(m_hbm.at[pl.ds(ebase + j * CHUNK, CHUNK)], buf, sem)

    def _wait(j, buf, sem):
        pltpu.make_async_copy(
            m_hbm.at[pl.ds(ebase + j * CHUNK, CHUNK)], buf, sem
        ).wait()

    def _acc(j, buf):
        pltpu.sync_copy(buf, acc.at[idx_v.at[j]], add=True)

    _get(0, rows0, sem0)

    @pl.loop(0, NCH - 1, step=2)
    def _(j):
        _get(j + 1, rows1, sem1)
        _wait(j, rows0, sem0)
        _acc(j, rows0)
        _get(j + 2, rows0, sem0)
        _wait(j + 1, rows1, sem1)
        _acc(j + 1, rows1)

    _wait(NCH - 1, rows0, sem0)
    _acc(NCH - 1, rows0)

    plsc.subcore_barrier()
    pltpu.sync_copy(acc.at[pl.ds(s * RPT, RPT)], out_hbm.at[c, pl.ds(s * RPT, RPT)])

    @pl.when(s == 0)
    def _():
        pltpu.sync_copy(
            acc.at[pl.ds(NS * RPT, REM)], out_hbm.at[c, pl.ds(NS * RPT, REM)]
        )


def _p_body(x_ref, w_ref, b_ref, o_ref):
    o_ref[...] = (
        jnp.dot(x_ref[...], w_ref[...], preferred_element_type=jnp.float32)
        + b_ref[...]
    )


def _mlp_body(g_ref, e_ref, w1e_ref, w2_ref, b2_ref, o_ref):
    h = g_ref[...] + jnp.dot(
        e_ref[...], w1e_ref[...], preferred_element_type=jnp.float32
    )
    h = h * jax.nn.sigmoid(h)
    m = (
        jnp.dot(
            h.astype(jnp.bfloat16), w2_ref[...], preferred_element_type=jnp.float32
        )
        + b2_ref[...]
    )
    o_ref[...] = m * jax.nn.sigmoid(m)


def _gru_body(a2_ref, x_ref, wih_ref, whh_ref, bih_ref, bhh_ref, o_ref):
    agg = a2_ref[0] + a2_ref[1]
    h = x_ref[...]
    gi = jnp.dot(agg, wih_ref[...], preferred_element_type=jnp.float32) + bih_ref[...]
    gh = jnp.dot(h, whh_ref[...], preferred_element_type=jnp.float32) + bhh_ref[...]
    r = jax.nn.sigmoid(gi[:, :D] + gh[:, :D])
    z = jax.nn.sigmoid(gi[:, D : 2 * D] + gh[:, D : 2 * D])
    n = jnp.tanh(gi[:, 2 * D :] + r * gh[:, 2 * D :])
    o_ref[...] = (1.0 - z) * n + z * h


EB = 3200
NB = 2000


def kernel(x, edge_index, edge_attr, W1, b1, W2, b2, W_ih, W_hh, b_ih, b_hh):
    src2d = edge_index[0].reshape(NW, NCH, CHUNK)
    dst2d = edge_index[1].reshape(NW, NCH, CHUNK)
    w1x_t = W1[:, :D].T
    w1e_t = W1[:, D:].T
    w2_t = W2.T
    wih_t = W_ih.T
    whh_t = W_hh.T

    p = pl.pallas_call(
        _p_body,
        grid=(N // NB,),
        in_specs=[
            pl.BlockSpec((NB, D), lambda i: (i, 0)),
            pl.BlockSpec((D, D), lambda i: (0, 0)),
            pl.BlockSpec((1, D), lambda i: (0, 0)),
        ],
        out_specs=pl.BlockSpec((NB, D), lambda i: (i, 0)),
        out_shape=jax.ShapeDtypeStruct((N, D), jnp.float32),
    )(x, w1x_t, b1.reshape(1, D))

    g = _sc_gather(p, src2d)

    m = pl.pallas_call(
        _mlp_body,
        grid=(E // EB,),
        in_specs=[
            pl.BlockSpec((EB, D), lambda i: (i, 0)),
            pl.BlockSpec((EB, A), lambda i: (i, 0)),
            pl.BlockSpec((A, D), lambda i: (0, 0)),
            pl.BlockSpec((D, D), lambda i: (0, 0)),
            pl.BlockSpec((1, D), lambda i: (0, 0)),
        ],
        out_specs=pl.BlockSpec((EB, D), lambda i: (i, 0)),
        out_shape=jax.ShapeDtypeStruct((E, D), jnp.float32),
    )(g, edge_attr, w1e_t, w2_t.astype(jnp.bfloat16), b2.reshape(1, D))

    agg2 = _sc_scatter(m, dst2d, jnp.zeros((RPT, D), jnp.float32))

    out = pl.pallas_call(
        _gru_body,
        grid=(N // NB,),
        in_specs=[
            pl.BlockSpec((NC, NB, D), lambda i: (0, i, 0)),
            pl.BlockSpec((NB, D), lambda i: (i, 0)),
            pl.BlockSpec((D, 3 * D), lambda i: (0, 0)),
            pl.BlockSpec((D, 3 * D), lambda i: (0, 0)),
            pl.BlockSpec((1, 3 * D), lambda i: (0, 0)),
            pl.BlockSpec((1, 3 * D), lambda i: (0, 0)),
        ],
        out_specs=pl.BlockSpec((NB, D), lambda i: (i, 0)),
        out_shape=jax.ShapeDtypeStruct((N, D), jnp.float32),
    )(agg2, x, wih_t, whh_t, b_ih.reshape(1, 3 * D), b_hh.reshape(1, 3 * D))

    return out

# --- scband reference (transcript-rebuilt; emitter-appended) ---
"""Pipeline reference for scband-gnnlayer-58634893525192 (READ-ONLY COPY).

The authoritative reference and input builder live on the scoring server;
editing this copy changes nothing except your own understanding.
"""

import jax, jax.numpy as jnp
import numpy as np

NODE_DIM = 128
EDGE_DIM = 16
HIDDEN = 128
N_NODES = 10000
N_EDGES = 320000


def setup_inputs(seed: int = 0) -> dict:
    key = jax.random.key(seed)
    ks = jax.random.split(key, 12)
    x = jax.random.normal(ks[0], (N_NODES, NODE_DIM), dtype=jnp.float32)
    edge_index = jax.random.randint(ks[1], (2, N_EDGES), 0, N_NODES, dtype=jnp.int64 if jax.config.jax_enable_x64 else jnp.int32).astype(jnp.int32)
    edge_attr = jax.random.normal(ks[2], (N_EDGES, EDGE_DIM), dtype=jnp.float32)
    s1 = 1.0 / np.sqrt(NODE_DIM + EDGE_DIM)
    W1 = jax.random.uniform(ks[3], (HIDDEN, NODE_DIM + EDGE_DIM), minval=-s1, maxval=s1, dtype=jnp.float32)
    b1 = jax.random.uniform(ks[4], (HIDDEN,), minval=-s1, maxval=s1, dtype=jnp.float32)
    s2 = 1.0 / np.sqrt(HIDDEN)
    W2 = jax.random.uniform(ks[5], (HIDDEN, HIDDEN), minval=-s2, maxval=s2, dtype=jnp.float32)
    b2 = jax.random.uniform(ks[6], (HIDDEN,), minval=-s2, maxval=s2, dtype=jnp.float32)
    sg = 1.0 / np.sqrt(NODE_DIM)
    W_ih = jax.random.uniform(ks[7], (3 * NODE_DIM, HIDDEN), minval=-sg, maxval=sg, dtype=jnp.float32)
    W_hh = jax.random.uniform(ks[8], (3 * NODE_DIM, NODE_DIM), minval=-sg, maxval=sg, dtype=jnp.float32)
    b_ih = jax.random.uniform(ks[9], (3 * NODE_DIM,), minval=-sg, maxval=sg, dtype=jnp.float32)
    b_hh = jax.random.uniform(ks[10], (3 * NODE_DIM,), minval=-sg, maxval=sg, dtype=jnp.float32)
    return {"x": x, "edge_index": edge_index, "edge_attr": edge_attr,
            "W1": W1, "b1": b1, "W2": W2, "b2": b2,
            "W_ih": W_ih, "W_hh": W_hh, "b_ih": b_ih, "b_hh": b_hh}


def _gru_cell(inp, h, W_ih, W_hh, b_ih, b_hh):
    gi = inp @ W_ih.T + b_ih
    gh = h @ W_hh.T + b_hh
    i_r, i_z, i_n = jnp.split(gi, 3, axis=-1)
    h_r, h_z, h_n = jnp.split(gh, 3, axis=-1)
    r = jax.nn.sigmoid(i_r + h_r)
    z = jax.nn.sigmoid(i_z + h_z)
    n = jnp.tanh(i_n + r * h_n)
    return (1.0 - z) * n + z * h


def reference(x, edge_index, edge_attr, W1, b1, W2, b2, W_ih, W_hh, b_ih, b_hh):
    src = edge_index[0]
    dst = edge_index[1]
    m_in = jnp.concatenate([jnp.take(x, src, axis=0), edge_attr], axis=-1)
    m = jax.nn.silu(m_in @ W1.T + b1)
    m = jax.nn.silu(m @ W2.T + b2)
    agg = jnp.zeros((x.shape[0], m.shape[-1]), dtype=x.dtype).at[dst].add(m)
    return _gru_cell(agg, x, W_ih, W_hh, b_ih, b_hh)

if __name__ == "__main__":
    import jax
    _d = setup_inputs()
    print(jax.jit(kernel)(*tuple(_d.values())))

</pallas_src>

<mosaic_0001>
#map = affine_map<(d0, d1) -> (0, 0)>
#map1 = affine_map<(d0, d1) -> (0, 0, 0)>
module attributes {stable_mosaic.version = 14 : i64} {
  func.func @_sc_scatter(%arg0: i32, %arg1: i32, %arg2: memref<320000x128xf32, #tpu.memory_space<hbm>>, %arg3: memref<32x125x80xi32, #tpu.memory_space<hbm>>, %arg4: memref<624x128xf32, #tpu.memory_space<hbm>>, %arg5: memref<2x10000x128xf32, #tpu.memory_space<hbm>>, %arg6: memref<125x80xi32, #tpu.memory_space<vmem>>, %arg7: memref<80x128xf32, #tpu.memory_space<vmem>>, %arg8: memref<80x128xf32, #tpu.memory_space<vmem>>, %arg9: memref<10000x128xf32, #tpu.memory_space<vmem_shared>>, %arg10: memref<!tpu.dma_semaphore, #tpu.memory_space<semaphore_mem>>, %arg11: memref<!tpu.dma_semaphore, #tpu.memory_space<semaphore_mem>>) attributes {dimension_semantics = [#tpu.dimension_semantics<core_parallel>, #tpu.dimension_semantics<subcore_parallel>], iteration_bounds = array<i64: 2, 16>, scalar_prefetch = 0 : i64, scratch_operands = 6 : i64, tpu.core_type = #tpu.core_type<sc_vector_subcore>, window_params = [{transform_indices = #map}, {transform_indices = #map1}, {transform_indices = #map}, {transform_indices = #map1}]} {
    %mul3A = arith.constant 16 : i32
    %mul3A_0 = arith.muli %arg0, %mul3A : i32
    %add3A = arith.addi %mul3A_0, %arg1 : i32
    %mul3A_1 = arith.constant 10000 : i32
    %mul3A_2 = arith.muli %add3A, %mul3A_1 : i32
    "tpu.region"() ({
      %run_scoped3A_31 = tpu.sem_alloc : memref<!tpu.dma_semaphore, #tpu.memory_space<semaphore_mem>>
      %dma_start3A_32 = arith.constant 0 : i32
      %dma_start3A_33 = arith.constant 0 : i32
      %dma_start3A_34 = tpu.memref_slice %arg3[%add3A, %dma_start3A_32, %dma_start3A_33] : memref<32x125x80xi32, #tpu.memory_space<hbm>> -> memref<1x125x80xi32, #tpu.memory_space<hbm>>
      %dma_start3A_35 = tpu.memref_squeeze %dma_start3A_34 : memref<1x125x80xi32, #tpu.memory_space<hbm>> -> memref<125x80xi32, #tpu.memory_space<hbm>>
      %dma_start3A_36 = arith.constant 0 : i32
      %dma_start3A_37 = arith.constant 0 : i32
      %dma_start3A_38 = tpu.memref_slice %arg3[%add3A, %dma_start3A_36, %dma_start3A_37] : memref<32x125x80xi32, #tpu.memory_space<hbm>> -> memref<1x125x80xi32, #tpu.memory_space<hbm>>
      %dma_start3A_39 = tpu.memref_squeeze %dma_start3A_38 : memref<1x125x80xi32, #tpu.memory_space<hbm>> -> memref<125x80xi32, #tpu.memory_space<hbm>>
      tpu.enqueue_dma source(%dma_start3A_39 : memref<125x80xi32, #tpu.memory_space<hbm>>) target(%arg6 : memref<125x80xi32, #tpu.memory_space<vmem>>) target_semaphore(%run_scoped3A_31 : memref<!tpu.dma_semaphore, #tpu.memory_space<semaphore_mem>>)
      %dma_wait3A_40 = arith.constant 0 : i32
      %dma_wait3A_41 = arith.constant 0 : i32
      %dma_wait3A_42 = tpu.memref_slice %arg3[%add3A, %dma_wait3A_40, %dma_wait3A_41] : memref<32x125x80xi32, #tpu.memory_space<hbm>> -> memref<1x125x80xi32, #tpu.memory_space<hbm>>
      %dma_wait3A_43 = tpu.memref_squeeze %dma_wait3A_42 : memref<1x125x80xi32, #tpu.memory_space<hbm>> -> memref<125x80xi32, #tpu.memory_space<hbm>>
      %dma_wait3A_44 = arith.constant 0 : i32
      %dma_wait3A_45 = arith.constant 0 : i32
      %dma_wait3A_46 = tpu.memref_slice %arg3[%add3A, %dma_wait3A_44, %dma_wait3A_45] : memref<32x125x80xi32, #tpu.memory_space<hbm>> -> memref<1x125x80xi32, #tpu.memory_space<hbm>>
      %dma_wait3A_47 = tpu.memref_squeeze %dma_wait3A_46 : memref<1x125x80xi32, #tpu.memory_space<hbm>> -> memref<125x80xi32, #tpu.memory_space<hbm>>
      tpu.wait_dma2 semaphore(%run_scoped3A_31 : memref<!tpu.dma_semaphore, #tpu.memory_space<semaphore_mem>>) src(%dma_wait3A_47 : memref<125x80xi32, #tpu.memory_space<hbm>>) dst(%arg6 : memref<125x80xi32, #tpu.memory_space<vmem>>)
      tpu.yield
    }) : () -> ()
    %mul3A_3 = arith.constant 624 : i32
    %mul3A_4 = arith.muli %arg1, %mul3A_3 : i32
    "tpu.region"() ({
      %run_scoped3A_31 = tpu.sem_alloc : memref<!tpu.dma_semaphore, #tpu.memory_space<semaphore_mem>>
      %dma_start3A_32 = arith.constant 0 : i32
      %dma_start3A_33 = tpu.memref_slice %arg9[%mul3A_4, %dma_start3A_32] : memref<10000x128xf32, #tpu.memory_space<vmem_shared>> -> memref<624x128xf32, #tpu.memory_space<vmem_shared>>
      tpu.enqueue_dma source(%arg4 : memref<624x128xf32, #tpu.memory_space<hbm>>) target(%dma_start3A_33 : memref<624x128xf32, #tpu.memory_space<vmem_shared>>) target_semaphore(%run_scoped3A_31 : memref<!tpu.dma_semaphore, #tpu.memory_space<semaphore_mem>>)
      %dma_wait3A_34 = arith.constant 0 : i32
      %dma_wait3A_35 = tpu.memref_slice %arg9[%mul3A_4, %dma_wait3A_34] : memref<10000x128xf32, #tpu.memory_space<vmem_shared>> -> memref<624x128xf32, #tpu.memory_space<vmem_shared>>
      tpu.wait_dma2 semaphore(%run_scoped3A_31 : memref<!tpu.dma_semaphore, #tpu.memory_space<semaphore_mem>>) src(%arg4 : memref<624x128xf32, #tpu.memory_space<hbm>>) dst(%dma_wait3A_35 : memref<624x128xf32, #tpu.memory_space<vmem_shared>>)
      tpu.yield
    }) : () -> ()
    %eq3A = arith.constant 0 : i32
    %eq3A_5 = arith.cmpi eq, %arg1, %eq3A : i32
    %convert_element_type3A = arith.extui %eq3A_5 : i1 to i32
    %cond3A = arith.constant 0 : i32
    %cond3A_6 = arith.cmpi ne, %convert_element_type3A, %cond3A : i32
    scf.if %cond3A_6 {
      "tpu.region"() ({
        %run_scoped3A_31 = tpu.sem_alloc : memref<!tpu.dma_semaphore, #tpu.memory_space<semaphore_mem>>
        %dma_start3A_32 = arith.constant 9984 : i32
        %dma_start3A_33 = arith.constant 0 : i32
        %dma_start3A_34 = tpu.memref_slice %arg9[%dma_start3A_32, %dma_start3A_33] : memref<10000x128xf32, #tpu.memory_space<vmem_shared>> -> memref<16x128xf32, #tpu.memory_space<vmem_shared>>
        %dma_start3A_35 = arith.constant 0 : i32
        %dma_start3A_36 = arith.constant 0 : i32
        %dma_start3A_37 = tpu.memref_slice %arg4[%dma_start3A_35, %dma_start3A_36] : memref<624x128xf32, #tpu.memory_space<hbm>> -> memref<16x128xf32, #tpu.memory_space<hbm>>
        tpu.enqueue_dma source(%dma_start3A_37 : memref<16x128xf32, #tpu.memory_space<hbm>>) target(%dma_start3A_34 : memref<16x128xf32, #tpu.memory_space<vmem_shared>>) target_semaphore(%run_scoped3A_31 : memref<!tpu.dma_semaphore, #tpu.memory_space<semaphore_mem>>)
        %dma_wait3A_38 = arith.constant 9984 : i32
        %dma_wait3A_39 = arith.constant 0 : i32
        %dma_wait3A_40 = tpu.memref_slice %arg9[%dma_wait3A_38, %dma_wait3A_39] : memref<10000x128xf32, #tpu.memory_space<vmem_shared>> -> memref<16x128xf32, #tpu.memory_space<vmem_shared>>
        %dma_wait3A_41 = arith.constant 0 : i32
        %dma_wait3A_42 = arith.constant 0 : i32
        %dma_wait3A_43 = tpu.memref_slice %arg4[%dma_wait3A_41, %dma_wait3A_42] : memref<624x128xf32, #tpu.memory_space<hbm>> -> memref<16x128xf32, #tpu.memory_space<hbm>>
        tpu.wait_dma2 semaphore(%run_scoped3A_31 : memref<!tpu.dma_semaphore, #tpu.memory_space<semaphore_mem>>) src(%dma_wait3A_43 : memref<16x128xf32, #tpu.memory_space<hbm>>) dst(%dma_wait3A_40 : memref<16x128xf32, #tpu.memory_space<vmem_shared>>)
        tpu.yield
      }) : () -> ()
    } else {
    }
    %barrier3A = arith.constant 0 : index
    tpu.barrier barrier_id(%barrier3A)
    %add3A_7 = arith.constant 0 : i32
    %add3A_8 = arith.addi %mul3A_2, %add3A_7 : i32
    %dma_start3A = arith.constant 0 : i32
    %dma_start3A_9 = tpu.memref_slice %arg2[%add3A_8, %dma_start3A] : memref<320000x128xf32, #tpu.memory_space<hbm>> -> memref<80x128xf32, #tpu.memory_space<hbm>>
    %dma_start3A_10 = arith.constant 0 : i32
    %dma_start3A_11 = tpu.memref_slice %arg2[%add3A_8, %dma_start3A_10] : memref<320000x128xf32, #tpu.memory_space<hbm>> -> memref<80x128xf32, #tpu.memory_space<hbm>>
    tpu.enqueue_dma source(%dma_start3A_11 : memref<80x128xf32, #tpu.memory_space<hbm>>) target(%arg7 : memref<80x128xf32, #tpu.memory_space<vmem>>) target_semaphore(%arg10 : memref<!tpu.dma_semaphore, #tpu.memory_space<semaphore_mem>>)
    %scan3A = arith.constant 0 : i32
    %scan3A_12 = arith.constant 62 : i32
    %scan3A_13 = arith.addi %scan3A, %scan3A_12 : i32
    %scan3A_14 = arith.constant 1 : i32
    scf.for %scan3A_31 = %scan3A to %scan3A_13 step %scan3A_14  : i32 {
      %mul3A_32 = arith.constant 2 : i32
      %mul3A_33 = arith.muli %scan3A_31, %mul3A_32 : i32
      %add3A_34 = arith.constant 0 : i32
      %add3A_35 = arith.addi %add3A_34, %mul3A_33 : i32
      %add3A_36 = arith.constant 1 : i32
      %add3A_37 = arith.addi %add3A_35, %add3A_36 : i32
      %mul3A_38 = arith.constant 80 : i32
      %mul3A_39 = arith.muli %add3A_37, %mul3A_38 : i32
      %add3A_40 = arith.addi %mul3A_2, %mul3A_39 : i32
      %dma_start3A_41 = arith.constant 0 : i32
      %dma_start3A_42 = tpu.memref_slice %arg2[%add3A_40, %dma_start3A_41] : memref<320000x128xf32, #tpu.memory_space<hbm>> -> memref<80x128xf32, #tpu.memory_space<hbm>>
      %dma_start3A_43 = arith.constant 0 : i32
      %dma_start3A_44 = tpu.memref_slice %arg2[%add3A_40, %dma_start3A_43] : memref<320000x128xf32, #tpu.memory_space<hbm>> -> memref<80x128xf32, #tpu.memory_space<hbm>>
      tpu.enqueue_dma source(%dma_start3A_44 : memref<80x128xf32, #tpu.memory_space<hbm>>) target(%arg8 : memref<80x128xf32, #tpu.memory_space<vmem>>) target_semaphore(%arg11 : memref<!tpu.dma_semaphore, #tpu.memory_space<semaphore_mem>>)
      %mul3A_45 = arith.constant 80 : i32
      %mul3A_46 = arith.muli %add3A_35, %mul3A_45 : i32
      %add3A_47 = arith.addi %mul3A_2, %mul3A_46 : i32
      %dma_wait3A_48 = arith.constant 0 : i32
      %dma_wait3A_49 = tpu.memref_slice %arg2[%add3A_47, %dma_wait3A_48] : memref<320000x128xf32, #tpu.memory_space<hbm>> -> memref<80x128xf32, #tpu.memory_space<hbm>>
      %dma_wait3A_50 = arith.constant 0 : i32
      %dma_wait3A_51 = tpu.memref_slice %arg2[%add3A_47, %dma_wait3A_50] : memref<320000x128xf32, #tpu.memory_space<hbm>> -> memref<80x128xf32, #tpu.memory_space<hbm>>
      tpu.wait_dma2 semaphore(%arg10 : memref<!tpu.dma_semaphore, #tpu.memory_space<semaphore_mem>>) src(%dma_wait3A_51 : memref<80x128xf32, #tpu.memory_space<hbm>>) dst(%arg7 : memref<80x128xf32, #tpu.memory_space<vmem>>)
      "tpu.region"() ({
        %run_scoped3A_72 = tpu.sem_alloc : memref<!tpu.dma_semaphore, #tpu.memory_space<semaphore_mem>>
        %dma_start3A_73 = arith.constant 0 : i32
        %dma_start3A_74 = tpu.memref_slice %arg6[%add3A_35, %dma_start3A_73] : memref<125x80xi32, #tpu.memory_space<vmem>> -> memref<1x80xi32, #tpu.memory_space<vmem>>
        %dma_start3A_75 = tpu.memref_squeeze %dma_start3A_74 : memref<1x80xi32, #tpu.memory_space<vmem>> -> memref<80xi32, #tpu.memory_space<vmem>>
        %dma_start3A_76 = arith.constant 0 : i32
        %dma_start3A_77 = arith.constant 0 : i32
        %dma_start3A_78 = tpu.memref_slice %arg9[%dma_start3A_76, %dma_start3A_77] : memref<10000x128xf32, #tpu.memory_space<vmem_shared>> -> memref<10000x128xf32, #tpu.memory_space<vmem_shared>>
        tpu.enqueue_indirect_dma source(%arg7 : memref<80x128xf32, #tpu.memory_space<vmem>>) target(%dma_start3A_78 : memref<10000x128xf32, #tpu.memory_space<vmem_shared>>) offsets(%dma_start3A_75 : memref<80xi32, #tpu.memory_space<vmem>>) semaphore(%run_scoped3A_72 : memref<!tpu.dma_semaphore, #tpu.memory_space<semaphore_mem>>) {add = true}
        %dma_wait3A_79 = arith.constant 0 : i32
        %dma_wait3A_80 = tpu.memref_slice %arg6[%add3A_35, %dma_wait3A_79] : memref<125x80xi32, #tpu.memory_space<vmem>> -> memref<1x80xi32, #tpu.memory_space<vmem>>
        %dma_wait3A_81 = tpu.memref_squeeze %dma_wait3A_80 : memref<1x80xi32, #tpu.memory_space<vmem>> -> memref<80xi32, #tpu.memory_space<vmem>>
        %dma_wait3A_82 = arith.constant 0 : i32
        %dma_wait3A_83 = arith.constant 0 : i32
        %dma_wait3A_84 = tpu.memref_slice %arg9[%dma_wait3A_82, %dma_wait3A_83] : memref<10000x128xf32, #tpu.memory_space<vmem_shared>> -> memref<10000x128xf32, #tpu.memory_space<vmem_shared>>
        tpu.wait_indirect_dma semaphore(%run_scoped3A_72 : memref<!tpu.dma_semaphore, #tpu.memory_space<semaphore_mem>>) src(%arg7 : memref<80x128xf32, #tpu.memory_space<vmem>>) dst(%dma_wait3A_84 : memref<10000x128xf32, #tpu.memory_space<vmem_shared>>)
        tpu.yield
      }) : () -> ()
      %add3A_52 = arith.constant 2 : i32
      %add3A_53 = arith.addi %add3A_35, %add3A_52 : i32
      %mul3A_54 = arith.constant 80 : i32
      %mul3A_55 = arith.muli %add3A_53, %mul3A_54 : i32
      %add3A_56 = arith.addi %mul3A_2, %mul3A_55 : i32
      %dma_start3A_57 = arith.constant 0 : i32
      %dma_start3A_58 = tpu.memref_slice %arg2[%add3A_56, %dma_start3A_57] : memref<320000x128xf32, #tpu.memory_space<hbm>> -> memref<80x128xf32, #tpu.memory_space<hbm>>
      %dma_start3A_59 = arith.constant 0 : i32
      %dma_start3A_60 = tpu.memref_slice %arg2[%add3A_56, %dma_start3A_59] : memref<320000x128xf32, #tpu.memory_space<hbm>> -> memref<80x128xf32, #tpu.memory_space<hbm>>
      tpu.enqueue_dma source(%dma_start3A_60 : memref<80x128xf32, #tpu.memory_space<hbm>>) target(%arg7 : memref<80x128xf32, #tpu.memory_space<vmem>>) target_semaphore(%arg10 : memref<!tpu.dma_semaphore, #tpu.memory_space<semaphore_mem>>)
      %add3A_61 = arith.constant 1 : i32
      %add3A_62 = arith.addi %add3A_35, %add3A_61 : i32
      %mul3A_63 = arith.constant 80 : i32
      %mul3A_64 = arith.muli %add3A_62, %mul3A_63 : i32
      %add3A_65 = arith.addi %mul3A_2, %mul3A_64 : i32
      %dma_wait3A_66 = arith.constant 0 : i32
      %dma_wait3A_67 = tpu.memref_slice %arg2[%add3A_65, %dma_wait3A_66] : memref<320000x128xf32, #tpu.memory_space<hbm>> -> memref<80x128xf32, #tpu.memory_space<hbm>>
      %dma_wait3A_68 = arith.constant 0 : i32
      %dma_wait3A_69 = tpu.memref_slice %arg2[%add3A_65, %dma_wait3A_68] : memref<320000x128xf32, #tpu.memory_space<hbm>> -> memref<80x128xf32, #tpu.memory_space<hbm>>
      tpu.wait_dma2 semaphore(%arg11 : memref<!tpu.dma_semaphore, #tpu.memory_space<semaphore_mem>>) src(%dma_wait3A_69 : memref<80x128xf32, #tpu.memory_space<hbm>>) dst(%arg8 : memref<80x128xf32, #tpu.memory_space<vmem>>)
      %add3A_70 = arith.constant 1 : i32
      %add3A_71 = arith.addi %add3A_35, %add3A_70 : i32
      "tpu.region"() ({
        %run_scoped3A_72 = tpu.sem_alloc : memref<!tpu.dma_semaphore, #tpu.memory_space<semaphore_mem>>
        %dma_start3A_73 = arith.constant 0 : i32
        %dma_start3A_74 = tpu.memref_slice %arg6[%add3A_71, %dma_start3A_73] : memref<125x80xi32, #tpu.memory_space<vmem>> -> memref<1x80xi32, #tpu.memory_space<vmem>>
        %dma_start3A_75 = tpu.memref_squeeze %dma_start3A_74 : memref<1x80xi32, #tpu.memory_space<vmem>> -> memref<80xi32, #tpu.memory_space<vmem>>
        %dma_start3A_76 = arith.constant 0 : i32
        %dma_start3A_77 = arith.constant 0 : i32
        %dma_start3A_78 = tpu.memref_slice %arg9[%dma_start3A_76, %dma_start3A_77] : memref<10000x128xf32, #tpu.memory_space<vmem_shared>> -> memref<10000x128xf32, #tpu.memory_space<vmem_shared>>
        tpu.enqueue_indirect_dma source(%arg8 : memref<80x128xf32, #tpu.memory_space<vmem>>) target(%dma_start3A_78 : memref<10000x128xf32, #tpu.memory_space<vmem_shared>>) offsets(%dma_start3A_75 : memref<80xi32, #tpu.memory_space<vmem>>) semaphore(%run_scoped3A_72 : memref<!tpu.dma_semaphore, #tpu.memory_space<semaphore_mem>>) {add = true}
        %dma_wait3A_79 = arith.constant 0 : i32
        %dma_wait3A_80 = tpu.memref_slice %arg6[%add3A_71, %dma_wait3A_79] : memref<125x80xi32, #tpu.memory_space<vmem>> -> memref<1x80xi32, #tpu.memory_space<vmem>>
        %dma_wait3A_81 = tpu.memref_squeeze %dma_wait3A_80 : memref<1x80xi32, #tpu.memory_space<vmem>> -> memref<80xi32, #tpu.memory_space<vmem>>
        %dma_wait3A_82 = arith.constant 0 : i32
        %dma_wait3A_83 = arith.constant 0 : i32
        %dma_wait3A_84 = tpu.memref_slice %arg9[%dma_wait3A_82, %dma_wait3A_83] : memref<10000x128xf32, #tpu.memory_space<vmem_shared>> -> memref<10000x128xf32, #tpu.memory_space<vmem_shared>>
        tpu.wait_indirect_dma semaphore(%run_scoped3A_72 : memref<!tpu.dma_semaphore, #tpu.memory_space<semaphore_mem>>) src(%arg8 : memref<80x128xf32, #tpu.memory_space<vmem>>) dst(%dma_wait3A_84 : memref<10000x128xf32, #tpu.memory_space<vmem_shared>>)
        tpu.yield
      }) : () -> ()
    }
    %scan3A_15 = arith.constant 62 : i32
    %add3A_16 = arith.constant 9920 : i32
    %add3A_17 = arith.addi %mul3A_2, %add3A_16 : i32
    %dma_wait3A = arith.constant 0 : i32
    %dma_wait3A_18 = tpu.memref_slice %arg2[%add3A_17, %dma_wait3A] : memref<320000x128xf32, #tpu.memory_space<hbm>> -> memref<80x128xf32, #tpu.memory_space<hbm>>
    %dma_wait3A_19 = arith.constant 0 : i32
    %dma_wait3A_20 = tpu.memref_slice %arg2[%add3A_17, %dma_wait3A_19] : memref<320000x128xf32, #tpu.memory_space<hbm>> -> memref<80x128xf32, #tpu.memory_space<hbm>>
    tpu.wait_dma2 semaphore(%arg10 : memref<!tpu.dma_semaphore, #tpu.memory_space<semaphore_mem>>) src(%dma_wait3A_20 : memref<80x128xf32, #tpu.memory_space<hbm>>) dst(%arg7 : memref<80x128xf32, #tpu.memory_space<vmem>>)
    %run_scoped3A = arith.constant 124 : i32
    "tpu.region"() ({
      %run_scoped3A_31 = tpu.sem_alloc : memref<!tpu.dma_semaphore, #tpu.memory_space<semaphore_mem>>
      %dma_start3A_32 = arith.constant 0 : i32
      %dma_start3A_33 = tpu.memref_slice %arg6[%run_scoped3A, %dma_start3A_32] : memref<125x80xi32, #tpu.memory_space<vmem>> -> memref<1x80xi32, #tpu.memory_space<vmem>>
      %dma_start3A_34 = tpu.memref_squeeze %dma_start3A_33 : memref<1x80xi32, #tpu.memory_space<vmem>> -> memref<80xi32, #tpu.memory_space<vmem>>
      %dma_start3A_35 = arith.constant 0 : i32
      %dma_start3A_36 = arith.constant 0 : i32
      %dma_start3A_37 = tpu.memref_slice %arg9[%dma_start3A_35, %dma_start3A_36] : memref<10000x128xf32, #tpu.memory_space<vmem_shared>> -> memref<10000x128xf32, #tpu.memory_space<vmem_shared>>
      tpu.enqueue_indirect_dma source(%arg7 : memref<80x128xf32, #tpu.memory_space<vmem>>) target(%dma_start3A_37 : memref<10000x128xf32, #tpu.memory_space<vmem_shared>>) offsets(%dma_start3A_34 : memref<80xi32, #tpu.memory_space<vmem>>) semaphore(%run_scoped3A_31 : memref<!tpu.dma_semaphore, #tpu.memory_space<semaphore_mem>>) {add = true}
      %dma_wait3A_38 = arith.constant 0 : i32
      %dma_wait3A_39 = tpu.memref_slice %arg6[%run_scoped3A, %dma_wait3A_38] : memref<125x80xi32, #tpu.memory_space<vmem>> -> memref<1x80xi32, #tpu.memory_space<vmem>>
      %dma_wait3A_40 = tpu.memref_squeeze %dma_wait3A_39 : memref<1x80xi32, #tpu.memory_space<vmem>> -> memref<80xi32, #tpu.memory_space<vmem>>
      %dma_wait3A_41 = arith.constant 0 : i32
      %dma_wait3A_42 = arith.constant 0 : i32
      %dma_wait3A_43 = tpu.memref_slice %arg9[%dma_wait3A_41, %dma_wait3A_42] : memref<10000x128xf32, #tpu.memory_space<vmem_shared>> -> memref<10000x128xf32, #tpu.memory_space<vmem_shared>>
      tpu.wait_indirect_dma semaphore(%run_scoped3A_31 : memref<!tpu.dma_semaphore, #tpu.memory_space<semaphore_mem>>) src(%arg7 : memref<80x128xf32, #tpu.memory_space<vmem>>) dst(%dma_wait3A_43 : memref<10000x128xf32, #tpu.memory_space<vmem_shared>>)
      tpu.yield
    }) : () -> ()
    %barrier3A_21 = arith.constant 0 : index
    tpu.barrier barrier_id(%barrier3A_21)
    %mul3A_22 = arith.constant 624 : i32
    %mul3A_23 = arith.muli %arg1, %mul3A_22 : i32
    %mul3A_24 = arith.constant 624 : i32
    %mul3A_25 = arith.muli %arg1, %mul3A_24 : i32
    "tpu.region"() ({
      %run_scoped3A_31 = tpu.sem_alloc : memref<!tpu.dma_semaphore, #tpu.memory_space<semaphore_mem>>
      %dma_start3A_32 = arith.constant 0 : i32
      %dma_start3A_33 = tpu.memref_slice %arg5[%arg0, %mul3A_25, %dma_start3A_32] : memref<2x10000x128xf32, #tpu.memory_space<hbm>> -> memref<1x624x128xf32, #tpu.memory_space<hbm>>
      %dma_start3A_34 = tpu.memref_squeeze %dma_start3A_33 : memref<1x624x128xf32, #tpu.memory_space<hbm>> -> memref<624x128xf32, #tpu.memory_space<hbm>>
      %dma_start3A_35 = arith.constant 0 : i32
      %dma_start3A_36 = tpu.memref_slice %arg9[%mul3A_23, %dma_start3A_35] : memref<10000x128xf32, #tpu.memory_space<vmem_shared>> -> memref<624x128xf32, #tpu.memory_space<vmem_shared>>
      tpu.enqueue_dma source(%dma_start3A_36 : memref<624x128xf32, #tpu.memory_space<vmem_shared>>) target(%dma_start3A_34 : memref<624x128xf32, #tpu.memory_space<hbm>>) target_semaphore(%run_scoped3A_31 : memref<!tpu.dma_semaphore, #tpu.memory_space<semaphore_mem>>)
      %dma_wait3A_37 = arith.constant 0 : i32
      %dma_wait3A_38 = tpu.memref_slice %arg5[%arg0, %mul3A_25, %dma_wait3A_37] : memref<2x10000x128xf32, #tpu.memory_space<hbm>> -> memref<1x624x128xf32, #tpu.memory_space<hbm>>
      %dma_wait3A_39 = tpu.memref_squeeze %dma_wait3A_38 : memref<1x624x128xf32, #tpu.memory_space<hbm>> -> memref<624x128xf32, #tpu.memory_space<hbm>>
      %dma_wait3A_40 = arith.constant 0 : i32
      %dma_wait3A_41 = tpu.memref_slice %arg9[%mul3A_23, %dma_wait3A_40] : memref<10000x128xf32, #tpu.memory_space<vmem_shared>> -> memref<624x128xf32, #tpu.memory_space<vmem_shared>>
      tpu.wait_dma2 semaphore(%run_scoped3A_31 : memref<!tpu.dma_semaphore, #tpu.memory_space<semaphore_mem>>) src(%dma_wait3A_41 : memref<624x128xf32, #tpu.memory_space<vmem_shared>>) dst(%dma_wait3A_39 : memref<624x128xf32, #tpu.memory_space<hbm>>)
      tpu.yield
    }) : () -> ()
    %eq3A_26 = arith.constant 0 : i32
    %eq3A_27 = arith.cmpi eq, %arg1, %eq3A_26 : i32
    %convert_element_type3A_28 = arith.extui %eq3A_27 : i1 to i32
    %cond3A_29 = arith.constant 0 : i32
    %cond3A_30 = arith.cmpi ne, %convert_element_type3A_28, %cond3A_29 : i32
    scf.if %cond3A_30 {
      "tpu.region"() ({
        %run_scoped3A_31 = tpu.sem_alloc : memref<!tpu.dma_semaphore, #tpu.memory_space<semaphore_mem>>
        %dma_start3A_32 = arith.constant 9984 : i32
        %dma_start3A_33 = arith.constant 0 : i32
        %dma_start3A_34 = tpu.memref_slice %arg5[%arg0, %dma_start3A_32, %dma_start3A_33] : memref<2x10000x128xf32, #tpu.memory_space<hbm>> -> memref<1x16x128xf32, #tpu.memory_space<hbm>>
        %dma_start3A_35 = tpu.memref_squeeze %dma_start3A_34 : memref<1x16x128xf32, #tpu.memory_space<hbm>> -> memref<16x128xf32, #tpu.memory_space<hbm>>
        %dma_start3A_36 = arith.constant 9984 : i32
        %dma_start3A_37 = arith.constant 0 : i32
        %dma_start3A_38 = tpu.memref_slice %arg9[%dma_start3A_36, %dma_start3A_37] : memref<10000x128xf32, #tpu.memory_space<vmem_shared>> -> memref<16x128xf32, #tpu.memory_space<vmem_shared>>
        tpu.enqueue_dma source(%dma_start3A_38 : memref<16x128xf32, #tpu.memory_space<vmem_shared>>) target(%dma_start3A_35 : memref<16x128xf32, #tpu.memory_space<hbm>>) target_semaphore(%run_scoped3A_31 : memref<!tpu.dma_semaphore, #tpu.memory_space<semaphore_mem>>)
        %dma_wait3A_39 = arith.constant 9984 : i32
        %dma_wait3A_40 = arith.constant 0 : i32
        %dma_wait3A_41 = tpu.memref_slice %arg5[%arg0, %dma_wait3A_39, %dma_wait3A_40] : memref<2x10000x128xf32, #tpu.memory_space<hbm>> -> memref<1x16x128xf32, #tpu.memory_space<hbm>>
        %dma_wait3A_42 = tpu.memref_squeeze %dma_wait3A_41 : memref<1x16x128xf32, #tpu.memory_space<hbm>> -> memref<16x128xf32, #tpu.memory_space<hbm>>
        %dma_wait3A_43 = arith.constant 9984 : i32
        %dma_wait3A_44 = arith.constant 0 : i32
        %dma_wait3A_45 = tpu.memref_slice %arg9[%dma_wait3A_43, %dma_wait3A_44] : memref<10000x128xf32, #tpu.memory_space<vmem_shared>> -> memref<16x128xf32, #tpu.memory_space<vmem_shared>>
        tpu.wait_dma2 semaphore(%run_scoped3A_31 : memref<!tpu.dma_semaphore, #tpu.memory_space<semaphore_mem>>) src(%dma_wait3A_45 : memref<16x128xf32, #tpu.memory_space<vmem_shared>>) dst(%dma_wait3A_42 : memref<16x128xf32, #tpu.memory_space<hbm>>)
        tpu.yield
      }) : () -> ()
    } else {
    }
    return
  }
}

#map = affine_map<(d0, d1) -> (0, 0)>
#map1 = affine_map<(d0, d1) -> (0, 0, 0)>
module attributes {stable_mosaic.version = 14 : i64} {
  func.func @_sc_gather(%arg0: i32, %arg1: i32, %arg2: memref<10000x128xf32, #tpu.memory_space<hbm>>, %arg3: memref<32x125x80xi32, #tpu.memory_space<hbm>>, %arg4: memref<320000x128xf32, #tpu.memory_space<hbm>>, %arg5: memref<125x80xi32, #tpu.memory_space<vmem>>, %arg6: memref<80x128xf32, #tpu.memory_space<vmem>>, %arg7: memref<80x128xf32, #tpu.memory_space<vmem>>, %arg8: memref<!tpu.dma_semaphore, #tpu.memory_space<semaphore_mem>>, %arg9: memref<!tpu.dma_semaphore, #tpu.memory_space<semaphore_mem>>) attributes {dimension_semantics = [#tpu.dimension_semantics<core_parallel>, #tpu.dimension_semantics<subcore_parallel>], iteration_bounds = array<i64: 2, 16>, scalar_prefetch = 0 : i64, scratch_operands = 5 : i64, tpu.core_type = #tpu.core_type<sc_vector_subcore>, window_params = [{transform_indices = #map}, {transform_indices = #map1}, {transform_indices = #map}]} {
    %mul3A = arith.constant 16 : i32
    %mul3A_0 = arith.muli %arg0, %mul3A : i32
    %add3A = arith.addi %mul3A_0, %arg1 : i32
    %mul3A_1 = arith.constant 10000 : i32
    %mul3A_2 = arith.muli %add3A, %mul3A_1 : i32
    "tpu.region"() ({
      %run_scoped3A = tpu.sem_alloc : memref<!tpu.dma_semaphore, #tpu.memory_space<semaphore_mem>>
      %dma_start3A_21 = arith.constant 0 : i32
      %dma_start3A_22 = arith.constant 0 : i32
      %dma_start3A_23 = tpu.memref_slice %arg3[%add3A, %dma_start3A_21, %dma_start3A_22] : memref<32x125x80xi32, #tpu.memory_space<hbm>> -> memref<1x125x80xi32, #tpu.memory_space<hbm>>
      %dma_start3A_24 = tpu.memref_squeeze %dma_start3A_23 : memref<1x125x80xi32, #tpu.memory_space<hbm>> -> memref<125x80xi32, #tpu.memory_space<hbm>>
      %dma_start3A_25 = arith.constant 0 : i32
      %dma_start3A_26 = arith.constant 0 : i32
      %dma_start3A_27 = tpu.memref_slice %arg3[%add3A, %dma_start3A_25, %dma_start3A_26] : memref<32x125x80xi32, #tpu.memory_space<hbm>> -> memref<1x125x80xi32, #tpu.memory_space<hbm>>
      %dma_start3A_28 = tpu.memref_squeeze %dma_start3A_27 : memref<1x125x80xi32, #tpu.memory_space<hbm>> -> memref<125x80xi32, #tpu.memory_space<hbm>>
      tpu.enqueue_dma source(%dma_start3A_28 : memref<125x80xi32, #tpu.memory_space<hbm>>) target(%arg5 : memref<125x80xi32, #tpu.memory_space<vmem>>) target_semaphore(%run_scoped3A : memref<!tpu.dma_semaphore, #tpu.memory_space<semaphore_mem>>)
      %dma_wait3A_29 = arith.constant 0 : i32
      %dma_wait3A_30 = arith.constant 0 : i32
      %dma_wait3A_31 = tpu.memref_slice %arg3[%add3A, %dma_wait3A_29, %dma_wait3A_30] : memref<32x125x80xi32, #tpu.memory_space<hbm>> -> memref<1x125x80xi32, #tpu.memory_space<hbm>>
      %dma_wait3A_32 = tpu.memref_squeeze %dma_wait3A_31 : memref<1x125x80xi32, #tpu.memory_space<hbm>> -> memref<125x80xi32, #tpu.memory_space<hbm>>
      %dma_wait3A_33 = arith.constant 0 : i32
      %dma_wait3A_34 = arith.constant 0 : i32
      %dma_wait3A_35 = tpu.memref_slice %arg3[%add3A, %dma_wait3A_33, %dma_wait3A_34] : memref<32x125x80xi32, #tpu.memory_space<hbm>> -> memref<1x125x80xi32, #tpu.memory_space<hbm>>
      %dma_wait3A_36 = tpu.memref_squeeze %dma_wait3A_35 : memref<1x125x80xi32, #tpu.memory_space<hbm>> -> memref<125x80xi32, #tpu.memory_space<hbm>>
      tpu.wait_dma2 semaphore(%run_scoped3A : memref<!tpu.dma_semaphore, #tpu.memory_space<semaphore_mem>>) src(%dma_wait3A_36 : memref<125x80xi32, #tpu.memory_space<hbm>>) dst(%arg5 : memref<125x80xi32, #tpu.memory_space<vmem>>)
      tpu.yield
    }) : () -> ()
    %dma_start3A = arith.constant 0 : i32
    %dma_start3A_3 = arith.constant 0 : i32
    %dma_start3A_4 = tpu.memref_slice %arg5[%dma_start3A, %dma_start3A_3] : memref<125x80xi32, #tpu.memory_space<vmem>> -> memref<1x80xi32, #tpu.memory_space<vmem>>
    %dma_start3A_5 = tpu.memref_squeeze %dma_start3A_4 : memref<1x80xi32, #tpu.memory_space<vmem>> -> memref<80xi32, #tpu.memory_space<vmem>>
    %dma_start3A_6 = arith.constant 0 : i32
    %dma_start3A_7 = arith.constant 0 : i32
    %dma_start3A_8 = tpu.memref_slice %arg2[%dma_start3A_6, %dma_start3A_7] : memref<10000x128xf32, #tpu.memory_space<hbm>> -> memref<10000x128xf32, #tpu.memory_space<hbm>>
    tpu.enqueue_indirect_dma source(%dma_start3A_8 : memref<10000x128xf32, #tpu.memory_space<hbm>>) target(%arg6 : memref<80x128xf32, #tpu.memory_space<vmem>>) offsets(%dma_start3A_5 : memref<80xi32, #tpu.memory_space<vmem>>) semaphore(%arg8 : memref<!tpu.dma_semaphore, #tpu.memory_space<semaphore_mem>>)
    %scan3A = arith.constant 0 : i32
    %scan3A_9 = arith.constant 62 : i32
    %scan3A_10 = arith.addi %scan3A, %scan3A_9 : i32
    %scan3A_11 = arith.constant 1 : i32
    scf.for %scan3A_21 = %scan3A to %scan3A_10 step %scan3A_11  : i32 {
      %mul3A_22 = arith.constant 2 : i32
      %mul3A_23 = arith.muli %scan3A_21, %mul3A_22 : i32
      %add3A_24 = arith.constant 0 : i32
      %add3A_25 = arith.addi %add3A_24, %mul3A_23 : i32
      %add3A_26 = arith.constant 1 : i32
      %add3A_27 = arith.addi %add3A_25, %add3A_26 : i32
      %dma_start3A_28 = arith.constant 0 : i32
      %dma_start3A_29 = tpu.memref_slice %arg5[%add3A_27, %dma_start3A_28] : memref<125x80xi32, #tpu.memory_space<vmem>> -> memref<1x80xi32, #tpu.memory_space<vmem>>
      %dma_start3A_30 = tpu.memref_squeeze %dma_start3A_29 : memref<1x80xi32, #tpu.memory_space<vmem>> -> memref<80xi32, #tpu.memory_space<vmem>>
      %dma_start3A_31 = arith.constant 0 : i32
      %dma_start3A_32 = arith.constant 0 : i32
      %dma_start3A_33 = tpu.memref_slice %arg2[%dma_start3A_31, %dma_start3A_32] : memref<10000x128xf32, #tpu.memory_space<hbm>> -> memref<10000x128xf32, #tpu.memory_space<hbm>>
      tpu.enqueue_indirect_dma source(%dma_start3A_33 : memref<10000x128xf32, #tpu.memory_space<hbm>>) target(%arg7 : memref<80x128xf32, #tpu.memory_space<vmem>>) offsets(%dma_start3A_30 : memref<80xi32, #tpu.memory_space<vmem>>) semaphore(%arg9 : memref<!tpu.dma_semaphore, #tpu.memory_space<semaphore_mem>>)
      %dma_wait3A_34 = arith.constant 0 : i32
      %dma_wait3A_35 = tpu.memref_slice %arg5[%add3A_25, %dma_wait3A_34] : memref<125x80xi32, #tpu.memory_space<vmem>> -> memref<1x80xi32, #tpu.memory_space<vmem>>
      %dma_wait3A_36 = tpu.memref_squeeze %dma_wait3A_35 : memref<1x80xi32, #tpu.memory_space<vmem>> -> memref<80xi32, #tpu.memory_space<vmem>>
      %dma_wait3A_37 = arith.constant 0 : i32
      %dma_wait3A_38 = arith.constant 0 : i32
      %dma_wait3A_39 = tpu.memref_slice %arg2[%dma_wait3A_37, %dma_wait3A_38] : memref<10000x128xf32, #tpu.memory_space<hbm>> -> memref<10000x128xf32, #tpu.memory_space<hbm>>
      tpu.wait_indirect_dma semaphore(%arg8 : memref<!tpu.dma_semaphore, #tpu.memory_space<semaphore_mem>>) src(%dma_wait3A_39 : memref<10000x128xf32, #tpu.memory_space<hbm>>) dst(%arg6 : memref<80x128xf32, #tpu.memory_space<vmem>>)
      %mul3A_40 = arith.constant 80 : i32
      %mul3A_41 = arith.muli %add3A_25, %mul3A_40 : i32
      %add3A_42 = arith.addi %mul3A_2, %mul3A_41 : i32
      "tpu.region"() ({
        %run_scoped3A = tpu.sem_alloc : memref<!tpu.dma_semaphore, #tpu.memory_space<semaphore_mem>>
        %dma_start3A_64 = arith.constant 0 : i32
        %dma_start3A_65 = tpu.memref_slice %arg4[%add3A_42, %dma_start3A_64] : memref<320000x128xf32, #tpu.memory_space<hbm>> -> memref<80x128xf32, #tpu.memory_space<hbm>>
        %dma_start3A_66 = arith.constant 0 : i32
        %dma_start3A_67 = tpu.memref_slice %arg4[%add3A_42, %dma_start3A_66] : memref<320000x128xf32, #tpu.memory_space<hbm>> -> memref<80x128xf32, #tpu.memory_space<hbm>>
        tpu.enqueue_dma source(%arg6 : memref<80x128xf32, #tpu.memory_space<vmem>>) target(%dma_start3A_67 : memref<80x128xf32, #tpu.memory_space<hbm>>) target_semaphore(%run_scoped3A : memref<!tpu.dma_semaphore, #tpu.memory_space<semaphore_mem>>)
        %dma_wait3A_68 = arith.constant 0 : i32
        %dma_wait3A_69 = tpu.memref_slice %arg4[%add3A_42, %dma_wait3A_68] : memref<320000x128xf32, #tpu.memory_space<hbm>> -> memref<80x128xf32, #tpu.memory_space<hbm>>
        %dma_wait3A_70 = arith.constant 0 : i32
        %dma_wait3A_71 = tpu.memref_slice %arg4[%add3A_42, %dma_wait3A_70] : memref<320000x128xf32, #tpu.memory_space<hbm>> -> memref<80x128xf32, #tpu.memory_space<hbm>>
        tpu.wait_dma2 semaphore(%run_scoped3A : memref<!tpu.dma_semaphore, #tpu.memory_space<semaphore_mem>>) src(%arg6 : memref<80x128xf32, #tpu.memory_space<vmem>>) dst(%dma_wait3A_71 : memref<80x128xf32, #tpu.memory_space<hbm>>)
        tpu.yield
      }) : () -> ()
      %add3A_43 = arith.constant 2 : i32
      %add3A_44 = arith.addi %add3A_25, %add3A_43 : i32
      %dma_start3A_45 = arith.constant 0 : i32
      %dma_start3A_46 = tpu.memref_slice %arg5[%add3A_44, %dma_start3A_45] : memref<125x80xi32, #tpu.memory_space<vmem>> -> memref<1x80xi32, #tpu.memory_space<vmem>>
      %dma_start3A_47 = tpu.memref_squeeze %dma_start3A_46 : memref<1x80xi32, #tpu.memory_space<vmem>> -> memref<80xi32, #tpu.memory_space<vmem>>
      %dma_start3A_48 = arith.constant 0 : i32
      %dma_start3A_49 = arith.constant 0 : i32
      %dma_start3A_50 = tpu.memref_slice %arg2[%dma_start3A_48, %dma_start3A_49] : memref<10000x128xf32, #tpu.memory_space<hbm>> -> memref<10000x128xf32, #tpu.memory_space<hbm>>
      tpu.enqueue_indirect_dma source(%dma_start3A_50 : memref<10000x128xf32, #tpu.memory_space<hbm>>) target(%arg6 : memref<80x128xf32, #tpu.memory_space<vmem>>) offsets(%dma_start3A_47 : memref<80xi32, #tpu.memory_space<vmem>>) semaphore(%arg8 : memref<!tpu.dma_semaphore, #tpu.memory_space<semaphore_mem>>)
      %add3A_51 = arith.constant 1 : i32
      %add3A_52 = arith.addi %add3A_25, %add3A_51 : i32
      %dma_wait3A_53 = arith.constant 0 : i32
      %dma_wait3A_54 = tpu.memref_slice %arg5[%add3A_52, %dma_wait3A_53] : memref<125x80xi32, #tpu.memory_space<vmem>> -> memref<1x80xi32, #tpu.memory_space<vmem>>
      %dma_wait3A_55 = tpu.memref_squeeze %dma_wait3A_54 : memref<1x80xi32, #tpu.memory_space<vmem>> -> memref<80xi32, #tpu.memory_space<vmem>>
      %dma_wait3A_56 = arith.constant 0 : i32
      %dma_wait3A_57 = arith.constant 0 : i32
      %dma_wait3A_58 = tpu.memref_slice %arg2[%dma_wait3A_56, %dma_wait3A_57] : memref<10000x128xf32, #tpu.memory_space<hbm>> -> memref<10000x128xf32, #tpu.memory_space<hbm>>
      tpu.wait_indirect_dma semaphore(%arg9 : memref<!tpu.dma_semaphore, #tpu.memory_space<semaphore_mem>>) src(%dma_wait3A_58 : memref<10000x128xf32, #tpu.memory_space<hbm>>) dst(%arg7 : memref<80x128xf32, #tpu.memory_space<vmem>>)
      %add3A_59 = arith.constant 1 : i32
      %add3A_60 = arith.addi %add3A_25, %add3A_59 : i32
      %mul3A_61 = arith.constant 80 : i32
      %mul3A_62 = arith.muli %add3A_60, %mul3A_61 : i32
      %add3A_63 = arith.addi %mul3A_2, %mul3A_62 : i32
      "tpu.region"() ({
        %run_scoped3A = tpu.sem_alloc : memref<!tpu.dma_semaphore, #tpu.memory_space<semaphore_mem>>
        %dma_start3A_64 = arith.constant 0 : i32
        %dma_start3A_65 = tpu.memref_slice %arg4[%add3A_63, %dma_start3A_64] : memref<320000x128xf32, #tpu.memory_space<hbm>> -> memref<80x128xf32, #tpu.memory_space<hbm>>
        %dma_start3A_66 = arith.constant 0 : i32
        %dma_start3A_67 = tpu.memref_slice %arg4[%add3A_63, %dma_start3A_66] : memref<320000x128xf32, #tpu.memory_space<hbm>> -> memref<80x128xf32, #tpu.memory_space<hbm>>
        tpu.enqueue_dma source(%arg7 : memref<80x128xf32, #tpu.memory_space<vmem>>) target(%dma_start3A_67 : memref<80x128xf32, #tpu.memory_space<hbm>>) target_semaphore(%run_scoped3A : memref<!tpu.dma_semaphore, #tpu.memory_space<semaphore_mem>>)
        %dma_wait3A_68 = arith.constant 0 : i32
        %dma_wait3A_69 = tpu.memref_slice %arg4[%add3A_63, %dma_wait3A_68] : memref<320000x128xf32, #tpu.memory_space<hbm>> -> memref<80x128xf32, #tpu.memory_space<hbm>>
        %dma_wait3A_70 = arith.constant 0 : i32
        %dma_wait3A_71 = tpu.memref_slice %arg4[%add3A_63, %dma_wait3A_70] : memref<320000x128xf32, #tpu.memory_space<hbm>> -> memref<80x128xf32, #tpu.memory_space<hbm>>
        tpu.wait_dma2 semaphore(%run_scoped3A : memref<!tpu.dma_semaphore, #tpu.memory_space<semaphore_mem>>) src(%arg7 : memref<80x128xf32, #tpu.memory_space<vmem>>) dst(%dma_wait3A_71 : memref<80x128xf32, #tpu.memory_space<hbm>>)
        tpu.yield
      }) : () -> ()
    }
    %scan3A_12 = arith.constant 62 : i32
    %dma_wait3A = arith.constant 124 : i32
    %dma_wait3A_13 = arith.constant 0 : i32
    %dma_wait3A_14 = tpu.memref_slice %arg5[%dma_wait3A, %dma_wait3A_13] : memref<125x80xi32, #tpu.memory_space<vmem>> -> memref<1x80xi32, #tpu.memory_space<vmem>>
    %dma_wait3A_15 = tpu.memref_squeeze %dma_wait3A_14 : memref<1x80xi32, #tpu.memory_space<vmem>> -> memref<80xi32, #tpu.memory_space<vmem>>
    %dma_wait3A_16 = arith.constant 0 : i32
    %dma_wait3A_17 = arith.constant 0 : i32
    %dma_wait3A_18 = tpu.memref_slice %arg2[%dma_wait3A_16, %dma_wait3A_17] : memref<10000x128xf32, #tpu.memory_space<hbm>> -> memref<10000x128xf32, #tpu.memory_space<hbm>>
    tpu.wait_indirect_dma semaphore(%arg8 : memref<!tpu.dma_semaphore, #tpu.memory_space<semaphore_mem>>) src(%dma_wait3A_18 : memref<10000x128xf32, #tpu.memory_space<hbm>>) dst(%arg6 : memref<80x128xf32, #tpu.memory_space<vmem>>)
    %add3A_19 = arith.constant 9920 : i32
    %add3A_20 = arith.addi %mul3A_2, %add3A_19 : i32
    "tpu.region"() ({
      %run_scoped3A = tpu.sem_alloc : memref<!tpu.dma_semaphore, #tpu.memory_space<semaphore_mem>>
      %dma_start3A_21 = arith.constant 0 : i32
      %dma_start3A_22 = tpu.memref_slice %arg4[%add3A_20, %dma_start3A_21] : memref<320000x128xf32, #tpu.memory_space<hbm>> -> memref<80x128xf32, #tpu.memory_space<hbm>>
      %dma_start3A_23 = arith.constant 0 : i32
      %dma_start3A_24 = tpu.memref_slice %arg4[%add3A_20, %dma_start3A_23] : memref<320000x128xf32, #tpu.memory_space<hbm>> -> memref<80x128xf32, #tpu.memory_space<hbm>>
      tpu.enqueue_dma source(%arg6 : memref<80x128xf32, #tpu.memory_space<vmem>>) target(%dma_start3A_24 : memref<80x128xf32, #tpu.memory_space<hbm>>) target_semaphore(%run_scoped3A : memref<!tpu.dma_semaphore, #tpu.memory_space<semaphore_mem>>)
      %dma_wait3A_25 = arith.constant 0 : i32
      %dma_wait3A_26 = tpu.memref_slice %arg4[%add3A_20, %dma_wait3A_25] : memref<320000x128xf32, #tpu.memory_space<hbm>> -> memref<80x128xf32, #tpu.memory_space<hbm>>
      %dma_wait3A_27 = arith.constant 0 : i32
      %dma_wait3A_28 = tpu.memref_slice %arg4[%add3A_20, %dma_wait3A_27] : memref<320000x128xf32, #tpu.memory_space<hbm>> -> memref<80x128xf32, #tpu.memory_space<hbm>>
      tpu.wait_dma2 semaphore(%run_scoped3A : memref<!tpu.dma_semaphore, #tpu.memory_space<semaphore_mem>>) src(%arg6 : memref<80x128xf32, #tpu.memory_space<vmem>>) dst(%dma_wait3A_28 : memref<80x128xf32, #tpu.memory_space<hbm>>)
      tpu.yield
    }) : () -> ()
    return
  }
}

module attributes {stable_mosaic.version = 14 : i64} {
  func.func @_p_body(%arg0: i32, %arg1: memref<2000x128xf32, #tpu.memory_space<vmem>>, %arg2: memref<128x128xf32, #tpu.memory_space<vmem>>, %arg3: memref<1x128xf32, #tpu.memory_space<vmem>>, %arg4: memref<2000x128xf32, #tpu.memory_space<vmem>>) attributes {dimension_semantics = [#tpu.dimension_semantics<arbitrary>], iteration_bounds = array<i64: 5>, scalar_prefetch = 0 : i64, scratch_operands = 0 : i64, tpu.core_type = #tpu.core_type<tc>, window_params = [{transform_indices = @transform_0, window_bounds = array<i64: 2000, 128>}, {pipeline_mode = #tpu.pipeline_mode<synchronous>, transform_indices = @transform_1, window_bounds = array<i64: 128, 128>}, {pipeline_mode = #tpu.pipeline_mode<synchronous>, transform_indices = @transform_2, window_bounds = array<i64: 1, 128>}, {transform_indices = @transform_3, window_bounds = array<i64: 2000, 128>}]} {
    %get3A = arith.constant 0 : index
    %get3A_0 = arith.constant 0 : index
    %get3A_1 = vector.load %arg1[%get3A, %get3A_0] : memref<2000x128xf32, #tpu.memory_space<vmem>>, vector<2000x128xf32>
    %get3A_2 = arith.constant 0 : index
    %get3A_3 = arith.constant 0 : index
    %get3A_4 = vector.load %arg2[%get3A_2, %get3A_3] : memref<128x128xf32, #tpu.memory_space<vmem>>, vector<128x128xf32>
    %dot_general3A = arith.constant dense<0.000000e+00> : vector<2000x128xf32>
    %dot_general3A_5 = tpu.matmul %get3A_1, %get3A_4, %dot_general3A {dimension_numbers = #tpu.dot_dimension_numbers<[1], [0], [0], [1], [0, 0, 1, 1], [], []>, transpose_lhs_hint = false} : vector<2000x128xf32>, vector<128x128xf32>, vector<2000x128xf32> -> vector<2000x128xf32>
    %get3A_6 = arith.constant 0 : index
    %get3A_7 = arith.constant 0 : index
    %get3A_8 = vector.load %arg3[%get3A_6, %get3A_7] : memref<1x128xf32, #tpu.memory_space<vmem>>, vector<1x128xf32>
    %add3A = vector.broadcast %get3A_8 : vector<1x128xf32> to vector<2000x128xf32>
    %add3A_9 = arith.addf %dot_general3A_5, %add3A : vector<2000x128xf32>
    %swap3A = arith.constant 0 : index
    %swap3A_10 = arith.constant 0 : index
    %swap3A_11 = vector.load %arg4[%swap3A, %swap3A_10] : memref<2000x128xf32, #tpu.memory_space<vmem>>, vector<2000x128xf32>
    tpu.vector_store %arg4[%swap3A, %swap3A_10], %add3A_9 {strides = array<i32>} : memref<2000x128xf32, #tpu.memory_space<vmem>>, vector<2000x128xf32>,
    return
  }
  func.func @transform_0(%arg0: i32) -> (i32, i32) {
    %c0_i32 = arith.constant 0 : i32
    %c0_i32_0 = arith.constant 0 : i32
    return %arg0, %c0_i32 : i32, i32
  }
  func.func @transform_1(%arg0: i32) -> (i32, i32) {
    %c0_i32 = arith.constant 0 : i32
    %c0_i32_0 = arith.constant 0 : i32
    %c0_i32_1 = arith.constant 0 : i32
    return %c0_i32, %c0_i32_0 : i32, i32
  }
  func.func @transform_2(%arg0: i32) -> (i32, i32) {
    %c0_i32 = arith.constant 0 : i32
    %c0_i32_0 = arith.constant 0 : i32
    %c0_i32_1 = arith.constant 0 : i32
    return %c0_i32, %c0_i32_0 : i32, i32
  }
  func.func @transform_3(%arg0: i32) -> (i32, i32) {
    %c0_i32 = arith.constant 0 : i32
    %c0_i32_0 = arith.constant 0 : i32
    return %arg0, %c0_i32 : i32, i32
  }
}

module attributes {stable_mosaic.version = 14 : i64} {
  func.func @_mlp_body(%arg0: i32, %arg1: memref<3200x128xf32, #tpu.memory_space<vmem>>, %arg2: memref<3200x16xf32, #tpu.memory_space<vmem>>, %arg3: memref<16x128xf32, #tpu.memory_space<vmem>>, %arg4: memref<128x128xbf16, #tpu.memory_space<vmem>>, %arg5: memref<1x128xf32, #tpu.memory_space<vmem>>, %arg6: memref<3200x128xf32, #tpu.memory_space<vmem>>) attributes {dimension_semantics = [#tpu.dimension_semantics<arbitrary>], iteration_bounds = array<i64: 100>, scalar_prefetch = 0 : i64, scratch_operands = 0 : i64, tpu.core_type = #tpu.core_type<tc>, window_params = [{transform_indices = @transform_0, window_bounds = array<i64: 3200, 128>}, {transform_indices = @transform_1, window_bounds = array<i64: 3200, 16>}, {pipeline_mode = #tpu.pipeline_mode<synchronous>, transform_indices = @transform_2, window_bounds = array<i64: 16, 128>}, {pipeline_mode = #tpu.pipeline_mode<synchronous>, transform_indices = @transform_3, window_bounds = array<i64: 128, 128>}, {pipeline_mode = #tpu.pipeline_mode<synchronous>, transform_indices = @transform_4, window_bounds = array<i64: 1, 128>}, {transform_indices = @transform_5, window_bounds = array<i64: 3200, 128>}]} {
    %get3A = arith.constant 0 : index
    %get3A_0 = arith.constant 0 : index
    %get3A_1 = vector.load %arg1[%get3A, %get3A_0] : memref<3200x128xf32, #tpu.memory_space<vmem>>, vector<3200x128xf32>
    %get3A_2 = arith.constant 0 : index
    %get3A_3 = arith.constant 0 : index
    %get3A_4 = vector.load %arg2[%get3A_2, %get3A_3] : memref<3200x16xf32, #tpu.memory_space<vmem>>, vector<3200x16xf32>
    %get3A_5 = arith.constant 0 : index
    %get3A_6 = arith.constant 0 : index
    %get3A_7 = vector.load %arg3[%get3A_5, %get3A_6] : memref<16x128xf32, #tpu.memory_space<vmem>>, vector<16x128xf32>
    %dot_general3A = arith.constant dense<0.000000e+00> : vector<3200x128xf32>
    %dot_general3A_8 = tpu.matmul %get3A_4, %get3A_7, %dot_general3A {dimension_numbers = #tpu.dot_dimension_numbers<[1], [0], [0], [1], [0, 0, 1, 1], [], []>, transpose_lhs_hint = false} : vector<3200x16xf32>, vector<16x128xf32>, vector<3200x128xf32> -> vector<3200x128xf32>
    %add3A = arith.addf %get3A_1, %dot_general3A_8 : vector<3200x128xf32>
    %logistic3A = arith.negf %add3A : vector<3200x128xf32>
    %logistic3A_9 = math.exp %logistic3A : vector<3200x128xf32>
    %logistic3A_10 = arith.constant 1.000000e+00 : f32
    %logistic3A_11 = vector.broadcast %logistic3A_10 : f32 to vector<3200x128xf32>
    %logistic3A_12 = arith.addf %logistic3A_11, %logistic3A_9 : vector<3200x128xf32>
    %logistic3A_13 = arith.divf %logistic3A_11, %logistic3A_12 : vector<3200x128xf32>
    %mul3A = arith.mulf %add3A, %logistic3A_13 : vector<3200x128xf32>
    %convert_element_type3A = arith.truncf %mul3A : vector<3200x128xf32> to vector<3200x128xbf16>
    %get3A_14 = arith.constant 0 : index
    %get3A_15 = arith.constant 0 : index
    %get3A_16 = vector.load %arg4[%get3A_14, %get3A_15] : memref<128x128xbf16, #tpu.memory_space<vmem>>, vector<128x128xbf16>
    %dot_general3A_17 = arith.constant dense<0.000000e+00> : vector<3200x128xf32>
    %dot_general3A_18 = tpu.matmul %convert_element_type3A, %get3A_16, %dot_general3A_17 {dimension_numbers = #tpu.dot_dimension_numbers<[1], [0], [0], [1], [0, 0, 1, 1], [], []>, transpose_lhs_hint = false} : vector<3200x128xbf16>, vector<128x128xbf16>, vector<3200x128xf32> -> vector<3200x128xf32>
    %get3A_19 = arith.constant 0 : index
    %get3A_20 = arith.constant 0 : index
    %get3A_21 = vector.load %arg5[%get3A_19, %get3A_20] : memref<1x128xf32, #tpu.memory_space<vmem>>, vector<1x128xf32>
    %add3A_22 = vector.broadcast %get3A_21 : vector<1x128xf32> to vector<3200x128xf32>
    %add3A_23 = arith.addf %dot_general3A_18, %add3A_22 : vector<3200x128xf32>
    %logistic3A_24 = arith.negf %add3A_23 : vector<3200x128xf32>
    %logistic3A_25 = math.exp %logistic3A_24 : vector<3200x128xf32>
    %logistic3A_26 = arith.constant 1.000000e+00 : f32
    %logistic3A_27 = vector.broadcast %logistic3A_26 : f32 to vector<3200x128xf32>
    %logistic3A_28 = arith.addf %logistic3A_27, %logistic3A_25 : vector<3200x128xf32>
    %logistic3A_29 = arith.divf %logistic3A_27, %logistic3A_28 : vector<3200x128xf32>
    %mul3A_30 = arith.mulf %add3A_23, %logistic3A_29 : vector<3200x128xf32>
    %swap3A = arith.constant 0 : index
    %swap3A_31 = arith.constant 0 : index
    %swap3A_32 = vector.load %arg6[%swap3A, %swap3A_31] : memref<3200x128xf32, #tpu.memory_space<vmem>>, vector<3200x128xf32>
    tpu.vector_store %arg6[%swap3A, %swap3A_31], %mul3A_30 {strides = array<i32>} : memref<3200x128xf32, #tpu.memory_space<vmem>>, vector<3200x128xf32>,
    return
  }
  func.func @transform_0(%arg0: i32) -> (i32, i32) {
    %c0_i32 = arith.constant 0 : i32
    %c0_i32_0 = arith.constant 0 : i32
    return %arg0, %c0_i32 : i32, i32
  }
  func.func @transform_1(%arg0: i32) -> (i32, i32) {
    %c0_i32 = arith.constant 0 : i32
    %c0_i32_0 = arith.constant 0 : i32
    return %arg0, %c0_i32 : i32, i32
  }
  func.func @transform_2(%arg0: i32) -> (i32, i32) {
    %c0_i32 = arith.constant 0 : i32
    %c0_i32_0 = arith.constant 0 : i32
    %c0_i32_1 = arith.constant 0 : i32
    return %c0_i32, %c0_i32_0 : i32, i32
  }
  func.func @transform_3(%arg0: i32) -> (i32, i32) {
    %c0_i32 = arith.constant 0 : i32
    %c0_i32_0 = arith.constant 0 : i32
    %c0_i32_1 = arith.constant 0 : i32
    return %c0_i32, %c0_i32_0 : i32, i32
  }
  func.func @transform_4(%arg0: i32) -> (i32, i32) {
    %c0_i32 = arith.constant 0 : i32
    %c0_i32_0 = arith.constant 0 : i32
    %c0_i32_1 = arith.constant 0 : i32
    return %c0_i32, %c0_i32_0 : i32, i32
  }
  func.func @transform_5(%arg0: i32) -> (i32, i32) {
    %c0_i32 = arith.constant 0 : i32
    %c0_i32_0 = arith.constant 0 : i32
    return %arg0, %c0_i32 : i32, i32
  }
}

module attributes {stable_mosaic.version = 14 : i64} {
  func.func @_gru_body(%arg0: i32, %arg1: memref<2x2000x128xf32, #tpu.memory_space<vmem>>, %arg2: memref<2000x128xf32, #tpu.memory_space<vmem>>, %arg3: memref<128x384xf32, #tpu.memory_space<vmem>>, %arg4: memref<128x384xf32, #tpu.memory_space<vmem>>, %arg5: memref<1x384xf32, #tpu.memory_space<vmem>>, %arg6: memref<1x384xf32, #tpu.memory_space<vmem>>, %arg7: memref<2000x128xf32, #tpu.memory_space<vmem>>) attributes {dimension_semantics = [#tpu.dimension_semantics<arbitrary>], iteration_bounds = array<i64: 5>, scalar_prefetch = 0 : i64, scratch_operands = 0 : i64, tpu.core_type = #tpu.core_type<tc>, window_params = [{transform_indices = @transform_0, window_bounds = array<i64: 2, 2000, 128>}, {transform_indices = @transform_1, window_bounds = array<i64: 2000, 128>}, {pipeline_mode = #tpu.pipeline_mode<synchronous>, transform_indices = @transform_2, window_bounds = array<i64: 128, 384>}, {pipeline_mode = #tpu.pipeline_mode<synchronous>, transform_indices = @transform_3, window_bounds = array<i64: 128, 384>}, {pipeline_mode = #tpu.pipeline_mode<synchronous>, transform_indices = @transform_4, window_bounds = array<i64: 1, 384>}, {pipeline_mode = #tpu.pipeline_mode<synchronous>, transform_indices = @transform_5, window_bounds = array<i64: 1, 384>}, {transform_indices = @transform_6, window_bounds = array<i64: 2000, 128>}]} {
    %get3A = arith.constant 0 : index
    %get3A_0 = arith.constant 0 : index
    %get3A_1 = arith.constant 0 : index
    %get3A_2 = vector.load %arg1[%get3A, %get3A_0, %get3A_1] : memref<2x2000x128xf32, #tpu.memory_space<vmem>>, vector<1x2000x128xf32>
    %get3A_3 = vector.shape_cast %get3A_2 : vector<1x2000x128xf32> to vector<2000x128xf32>
    %get3A_4 = arith.constant 1 : index
    %get3A_5 = arith.constant 0 : index
    %get3A_6 = arith.constant 0 : index
    %get3A_7 = vector.load %arg1[%get3A_4, %get3A_5, %get3A_6] : memref<2x2000x128xf32, #tpu.memory_space<vmem>>, vector<1x2000x128xf32>
    %get3A_8 = vector.shape_cast %get3A_7 : vector<1x2000x128xf32> to vector<2000x128xf32>
    %add3A = arith.addf %get3A_3, %get3A_8 : vector<2000x128xf32>
    %get3A_9 = arith.constant 0 : index
    %get3A_10 = arith.constant 0 : index
    %get3A_11 = vector.load %arg2[%get3A_9, %get3A_10] : memref<2000x128xf32, #tpu.memory_space<vmem>>, vector<2000x128xf32>
    %get3A_12 = arith.constant 0 : index
    %get3A_13 = arith.constant 0 : index
    %get3A_14 = vector.load %arg3[%get3A_12, %get3A_13] : memref<128x384xf32, #tpu.memory_space<vmem>>, vector<128x384xf32>
    %dot_general3A = arith.constant dense<0.000000e+00> : vector<2000x384xf32>
    %dot_general3A_15 = tpu.matmul %add3A, %get3A_14, %dot_general3A {dimension_numbers = #tpu.dot_dimension_numbers<[1], [0], [0], [1], [0, 0, 1, 1], [], []>, transpose_lhs_hint = false} : vector<2000x128xf32>, vector<128x384xf32>, vector<2000x384xf32> -> vector<2000x384xf32>
    %get3A_16 = arith.constant 0 : index
    %get3A_17 = arith.constant 0 : index
    %get3A_18 = vector.load %arg5[%get3A_16, %get3A_17] : memref<1x384xf32, #tpu.memory_space<vmem>>, vector<1x384xf32>
    %add3A_19 = vector.broadcast %get3A_18 : vector<1x384xf32> to vector<2000x384xf32>
    %add3A_20 = arith.addf %dot_general3A_15, %add3A_19 : vector<2000x384xf32>
    %get3A_21 = arith.constant 0 : index
    %get3A_22 = arith.constant 0 : index
    %get3A_23 = vector.load %arg4[%get3A_21, %get3A_22] : memref<128x384xf32, #tpu.memory_space<vmem>>, vector<128x384xf32>
    %dot_general3A_24 = arith.constant dense<0.000000e+00> : vector<2000x384xf32>
    %dot_general3A_25 = tpu.matmul %get3A_11, %get3A_23, %dot_general3A_24 {dimension_numbers = #tpu.dot_dimension_numbers<[1], [0], [0], [1], [0, 0, 1, 1], [], []>, transpose_lhs_hint = false} : vector<2000x128xf32>, vector<128x384xf32>, vector<2000x384xf32> -> vector<2000x384xf32>
    %get3A_26 = arith.constant 0 : index
    %get3A_27 = arith.constant 0 : index
    %get3A_28 = vector.load %arg6[%get3A_26, %get3A_27] : memref<1x384xf32, #tpu.memory_space<vmem>>, vector<1x384xf32>
    %add3A_29 = vector.broadcast %get3A_28 : vector<1x384xf32> to vector<2000x384xf32>
    %add3A_30 = arith.addf %dot_general3A_25, %add3A_29 : vector<2000x384xf32>
    %slice3A = vector.extract_strided_slice %add3A_20 {offsets = [0, 0], sizes = [2000, 128], strides = [1, 1]} : vector<2000x384xf32> to vector<2000x128xf32>
    %slice3A_31 = vector.extract_strided_slice %add3A_30 {offsets = [0, 0], sizes = [2000, 128], strides = [1, 1]} : vector<2000x384xf32> to vector<2000x128xf32>
    %add3A_32 = arith.addf %slice3A, %slice3A_31 : vector<2000x128xf32>
    %logistic3A = arith.negf %add3A_32 : vector<2000x128xf32>
    %logistic3A_33 = math.exp %logistic3A : vector<2000x128xf32>
    %logistic3A_34 = arith.constant 1.000000e+00 : f32
    %logistic3A_35 = vector.broadcast %logistic3A_34 : f32 to vector<2000x128xf32>
    %logistic3A_36 = arith.addf %logistic3A_35, %logistic3A_33 : vector<2000x128xf32>
    %logistic3A_37 = arith.divf %logistic3A_35, %logistic3A_36 : vector<2000x128xf32>
    %slice3A_38 = vector.extract_strided_slice %add3A_20 {offsets = [0, 128], sizes = [2000, 128], strides = [1, 1]} : vector<2000x384xf32> to vector<2000x128xf32>
    %slice3A_39 = vector.extract_strided_slice %add3A_30 {offsets = [0, 128], sizes = [2000, 128], strides = [1, 1]} : vector<2000x384xf32> to vector<2000x128xf32>
    %add3A_40 = arith.addf %slice3A_38, %slice3A_39 : vector<2000x128xf32>
    %logistic3A_41 = arith.negf %add3A_40 : vector<2000x128xf32>
    %logistic3A_42 = math.exp %logistic3A_41 : vector<2000x128xf32>
    %logistic3A_43 = arith.constant 1.000000e+00 : f32
    %logistic3A_44 = vector.broadcast %logistic3A_43 : f32 to vector<2000x128xf32>
    %logistic3A_45 = arith.addf %logistic3A_44, %logistic3A_42 : vector<2000x128xf32>
    %logistic3A_46 = arith.divf %logistic3A_44, %logistic3A_45 : vector<2000x128xf32>
    %slice3A_47 = vector.extract_strided_slice %add3A_20 {offsets = [0, 256], sizes = [2000, 128], strides = [1, 1]} : vector<2000x384xf32> to vector<2000x128xf32>
    %slice3A_48 = vector.extract_strided_slice %add3A_30 {offsets = [0, 256], sizes = [2000, 128], strides = [1, 1]} : vector<2000x384xf32> to vector<2000x128xf32>
    %mul3A = arith.mulf %logistic3A_37, %slice3A_48 : vector<2000x128xf32>
    %add3A_49 = arith.addf %slice3A_47, %mul3A : vector<2000x128xf32>
    %tanh3A = math.tanh %add3A_49 : vector<2000x128xf32>
    %sub3A = arith.constant 1.000000e+00 : f32
    %sub3A_50 = vector.broadcast %sub3A : f32 to vector<2000x128xf32>
    %sub3A_51 = arith.subf %sub3A_50, %logistic3A_46 : vector<2000x128xf32>
    %mul3A_52 = arith.mulf %sub3A_51, %tanh3A : vector<2000x128xf32>
    %mul3A_53 = arith.mulf %logistic3A_46, %get3A_11 : vector<2000x128xf32>
    %add3A_54 = arith.addf %mul3A_52, %mul3A_53 : vector<2000x128xf32>
    %swap3A = arith.constant 0 : index
    %swap3A_55 = arith.constant 0 : index
    %swap3A_56 = vector.load %arg7[%swap3A, %swap3A_55] : memref<2000x128xf32, #tpu.memory_space<vmem>>, vector<2000x128xf32>
    tpu.vector_store %arg7[%swap3A, %swap3A_55], %add3A_54 {strides = array<i32>} : memref<2000x128xf32, #tpu.memory_space<vmem>>, vector<2000x128xf32>,
    return
  }
  func.func @transform_0(%arg0: i32) -> (i32, i32, i32) {
    %c0_i32 = arith.constant 0 : i32
    %c0_i32_0 = arith.constant 0 : i32
    %c0_i32_1 = arith.constant 0 : i32
    return %c0_i32, %arg0, %c0_i32_0 : i32, i32, i32
  }
  func.func @transform_1(%arg0: i32) -> (i32, i32) {
    %c0_i32 = arith.constant 0 : i32
    %c0_i32_0 = arith.constant 0 : i32
    return %arg0, %c0_i32 : i32, i32
  }
  func.func @transform_2(%arg0: i32) -> (i32, i32) {
    %c0_i32 = arith.constant 0 : i32
    %c0_i32_0 = arith.constant 0 : i32
    %c0_i32_1 = arith.constant 0 : i32
    return %c0_i32, %c0_i32_0 : i32, i32
  }
  func.func @transform_3(%arg0: i32) -> (i32, i32) {
    %c0_i32 = arith.constant 0 : i32
    %c0_i32_0 = arith.constant 0 : i32
    %c0_i32_1 = arith.constant 0 : i32
    return %c0_i32, %c0_i32_0 : i32, i32
  }
  func.func @transform_4(%arg0: i32) -> (i32, i32) {
    %c0_i32 = arith.constant 0 : i32
    %c0_i32_0 = arith.constant 0 : i32
    %c0_i32_1 = arith.constant 0 : i32
    return %c0_i32, %c0_i32_0 : i32, i32
  }
  func.func @transform_5(%arg0: i32) -> (i32, i32) {
    %c0_i32 = arith.constant 0 : i32
    %c0_i32_0 = arith.constant 0 : i32
    %c0_i32_1 = arith.constant 0 : i32
    return %c0_i32, %c0_i32_0 : i32, i32
  }
  func.func @transform_6(%arg0: i32) -> (i32, i32) {
    %c0_i32 = arith.constant 0 : i32
    %c0_i32_0 = arith.constant 0 : i32
    return %arg0, %c0_i32 : i32, i32
  }
}

</mosaic_0001>

<sc_bundles>
// kernel: kernel.10.cloned.1.call-start
scs
__scs_entry_jumppad:
0x0: {  	(pc) =	sbr.rel $0x88, $3  }
0x1: {  	(tag) =	ssettag $0x0;
	lr =	simm.s32 $0x1  }
0x2: {  	[smem:$0x3F96] =	sst lr;
	_ =	strace $0xD0000000  }
0x3: {  	_ = 	snop  }
0x4: {  	_ = 	snop  }
0x5: {  	_ = 	snop  }
0x6: {  	_ = 	snop  }
0x7: {  	_ = 	snop  }
__scs_overlays_trampoline_lowered:
0x8: {  	[smem:$0x3FA5] =	sst s0  }
0x9: {  	[smem:$0x3FA6] =	sst s1  }
0xa: {  	[smem:$0x3FA7] =	sst s2  }
0xb: {  	[smem:$0x3FA8] =	sst s3  }
0xc: {  	[smem:$0x3FA9] =	sst s4  }
0xd: {  	[smem:$0x3FAA] =	sst s5  }
0xe: {  	[smem:$0x3FAB] =	sst s6  }
0xf: {  	[smem:$0x3FAC] =	sst s7  }
0x10: {  	[smem:$0x3FAD] =	sst s8  }
0x11: {  	[smem:$0x3FAE] =	sst s9;
	s0 =	simm.s32 @!p0 $0x0  }
0x12: {  	s1 =	sld [smem:$0x3F94];
	s0 =	simm.s32 @p0 $0x1  }
0x13: {  	[smem:$0x3FAF] =	sst s0;
	s0 =	simm.s32 @!p1 $0x0  }
0x14: {  	s2 =	sld [smem:$0x3F93];
	s0 =	simm.s32 @p1 $0x1  }
0x15: {  	[smem:$0x3FB0] =	sst s0;
	s0 =	simm.s32 @!p2 $0x0  }
0x16: {  	s3 =	sld [smem:$0x3FDB];
	s0 =	simm.s32 @p2 $0x1  }
0x17: {  	s4 =	simm.s32 $0x1BF5;
	[smem:$0x3FB2] =	sst s0  }
0x18: {  	s0 =	sld [smem:$0x3F95];
	_ =	swait.ge [sflag:s4], $0x0  }
0x19: {  	s7 =	sld [smem:$0x3F96]  }
0x1a: {  	s8 =	sadd.s32 $0xFFFFE003, lr  }
0x1b: {  	s9 =	sadd.s32 $0xFFFFFEF7, lr;
	s5 =	simm.s32 $0xFFFFFFFF;
	p2 =	slt.u32 s8, $0xFFFFF086  }
0x1c: {  	p1 =	slt.u32 s9, $0xF7A;
	s5 =	simm.s32 @!p2 $0x0  }
0x1d: {  	s5 =	simm.s32 @p1 $0x1;
	p0 =	seq.s32 s7, s2  }
0x1e: {  	s7 =	smul.u32 @!p0 $0xF7A, s2;
	p2 =	seq.s32 @!p0 s5, $0x0  }
0x1f: {  	s9 =	smul.u32 $0xF7A, s1;
	s8 =	simm.s32 @!p0 $0x1BF5;
	p2 =	por !p2, p0  }
0x20: {  	[sflag:s8] =	ssyncset.s32 @!p0 $0xFFFFF086;
	s6 =	sadd.s32 @!p0 s3, s7;
	s7 =	simm.s32 @!p0 $0x108  }
0x21: {  	s3 =	sadd.s32 s3, s9;
	s6 =	sadd.s32 @!p0 $0x88, s6;
	s7 =	simm.s32 @p2 $0x1082  }
0x22: {  	[simem:s7], [sflag:s8] =	dma.local @!p0 [hbm:s6], $0xF7A  }
0x23: {  	s9 =	sor.u32 $0xD0000000, s2;
	s6 =	simm.s32 $0x108;
	_ =	swait.ge @!p0 [sflag:s8], $0x0  }
0x24: {  	s3 =	sadd.s32 $0x88, s3;
	s6 =	simm.s32 @!p1 $0x1082;
	[sflag:s4] =	ssyncset.s32 $0xFFFFF086  }
0x25: {  	[simem:s6], [sflag:s4] =	dma.local [hbm:s3], $0xF7A  }
0x26: {  	[smem:$0x3F96] =	sst s1;
	(tag) =	ssettag s2;
	_ =	strace s9  }
0x27: {  	s1 =	sld [smem:$0x3FA6]  }
0x28: {  	s2 =	sld [smem:$0x3FA7]  }
0x29: {  	s4 =	sld [smem:$0x3FA9]  }
0x2a: {  	p0 =	seq.s32 s5, $0x0;
	s5 =	sld [smem:$0x3FAA]  }
0x2b: {  	s6 =	sld [smem:$0x3FAB]  }
0x2c: {  	s7 =	sld [smem:$0x3FAC]  }
0x2d: {  	s3 =	simm.s32 $0x108;
	s8 =	sld [smem:$0x3FAD]  }
0x2e: {  	s3 =	simm.s32 @!p0 $0x1082;
	s9 =	sld [smem:$0x3FAE]  }
0x2f: {  	lr =	sadd.s32 s0, s3;
	s0 =	sld [smem:$0x3FA5]  }
0x30: {  	s3 =	sld [smem:$0x3FA8]  }
0x31: {  	[smem:$0x3FB1] =	sst s10  }
0x32: {  	s10 =	sld [smem:$0x3FAF];
	_ =	sdelay $0x3  }
0x33: {  	p0 =	seq.s32 s10, $0x1;
	s10 =	sld [smem:$0x3FB1];
	_ =	sdelay $0x3  }
0x34: {  	[smem:$0x3FB1] =	sst s10  }
0x35: {  	s10 =	sld [smem:$0x3FB0];
	_ =	sdelay $0x3  }
0x36: {  	p1 =	seq.s32 s10, $0x1;
	s10 =	sld [smem:$0x3FB1];
	_ =	sdelay $0x3  }
0x37: {  	[smem:$0x3FB1] =	sst s10  }
0x38: {  	s10 =	sld [smem:$0x3FB2]  }
0x39: {  	_ = 	snop;
	(pc) =	sbr.ind lr, $3  }
0x3a: {  	_ = 	snop  }
0x3b: {  	_ = 	snop  }
0x3c: {  	p2 =	seq.s32 s10, $0x1;
	s10 =	sld [smem:$0x3FB1]  }
0x3d: {  	_ =	shalt  }
0x3e: {  	_ =	shalt  }
0x3f: {  	_ =	shalt  }
0x40: {  	_ =	shalt  }
0x41: {  	_ =	shalt  }
0x42: {  	_ =	shalt  }
0x43: {  	_ =	shalt  }
0x44: {  	_ =	shalt  }
0x45: {  	_ =	shalt  }
0x46: {  	_ =	shalt  }
0x47: {  	_ =	shalt  }
0x48: {  	_ =	shalt  }
0x49: {  	_ =	shalt  }
0x4a: {  	_ =	shalt  }
0x4b: {  	_ =	shalt  }
0x4c: {  	_ =	shalt  }
0x4d: {  	_ =	shalt  }
0x4e: {  	_ =	shalt  }
0x4f: {  	_ =	shalt  }
0x50: {  	_ =	shalt  }
0x51: {  	_ =	shalt  }
0x52: {  	_ =	shalt  }
0x53: {  	_ =	shalt  }
0x54: {  	_ =	shalt  }
0x55: {  	_ =	shalt  }
0x56: {  	_ =	shalt  }
0x57: {  	_ =	shalt  }
0x58: {  	_ =	shalt  }
0x59: {  	_ =	shalt  }
0x5a: {  	_ =	shalt  }
0x5b: {  	_ =	shalt  }
0x5c: {  	_ =	shalt  }
0x5d: {  	_ =	shalt  }
0x5e: {  	_ =	shalt  }
0x5f: {  	_ =	shalt  }
0x60: {  	_ =	shalt  }
0x61: {  	_ =	shalt  }
0x62: {  	_ =	shalt  }
0x63: {  	_ =	shalt  }
0x64: {  	_ =	shalt  }
0x65: {  	_ =	shalt  }
0x66: {  	_ =	shalt  }
0x67: {  	_ =	shalt  }
0x68: {  	_ =	shalt  }
0x69: {  	_ =	shalt  }
0x6a: {  	_ =	shalt  }
0x6b: {  	_ =	shalt  }
0x6c: {  	_ =	shalt  }
0x6d: {  	_ =	shalt  }
0x6e: {  	_ =	shalt  }
0x6f: {  	_ =	shalt  }
0x70: {  	_ =	shalt  }
0x71: {  	_ =	shalt  }
0x72: {  	_ =	shalt  }
0x73: {  	_ =	shalt  }
0x74: {  	_ =	shalt  }
0x75: {  	_ =	shalt  }
0x76: {  	_ =	shalt  }
0x77: {  	_ =	shalt  }
0x78: {  	_ =	shalt  }
0x79: {  	_ =	shalt  }
0x7a: {  	_ =	shalt  }
0x7b: {  	_ =	shalt  }
0x7c: {  	_ =	shalt  }
0x7d: {  	_ =	shalt  }
0x7e: {  	_ =	shalt  }
0x7f: {  	_ =	shalt  }
0x80: {  	_ =	shalt  }
0x81: {  	_ =	shalt  }
0x82: {  	_ =	shalt  }
0x83: {  	_ =	shalt  }
0x84: {  	_ =	shalt  }
0x85: {  	_ =	shalt  }
0x86: {  	_ =	shalt  }
0x87: {  	_ =	shalt  }
.Lfunc_end0:
.L_simem_size_0:
called_computation.1_lowered:
.L_overlay_start_0:
0x88: {  	s2 =	sld [smem:$0x3FD9]  }
0x89: {  	s3 =	sld [smem:$0x3FFE];
	_ =	sdelay $0x1  }
0x8a: {  	s1 =	srdreg.scid  }
0x8b: {  	s0 =	sand.u32 $0x1, s1  }
0x8c: {  	s17 =	sshll.u32 s0, $0xA;
	s2 =	sadd.s32 s3, s2  }
0x8d: {  	s2 =	sadd.s32 s2, s17  }
0x8e: {  	[smem:$0x3FBD] =	sst s2  }
0x8f: {  	_ = 	snop  }
0x90: {  	s2 =	sld [smem:$0x3FD0];
	(tm) =	ssettm $0x1  }
0x91: {  	s18 =	sld [smem:$0x3FFB];
	_ =	sdelay $0x3  }
0x92: {  	_ =	strace s18  }
0x93: {  	s3 =	sld [smem:$0x3FFC];
	_ =	sdelay $0x3  }
0x94: {  	_ =	strace s3  }
0x95: {  	s3 =	sld [smem:$0x3FFD];
	_ =	sdelay $0x3  }
0x96: {  	_ =	strace s3  }
0x97: {  	_ =	strace $0x8FFFFFFF  }
0x98: {  	s19 =	sld [smem:$0x3FDB];
	_ =	sdelay $0x1  }
0x99: {  	s4 =	simm.s32 $_scs_section_size  }
0x9a: {  	s5 =	simm.s32 $_size__tile_overlayer_lowered;
	s6 =	simm.s32 $_tile_overlayer_lowered  }
0x9b: {  	s22 =	simm.s32 $0x1BFF;
	s21 =	sshll.u32 s6, $0x1;
	s3 =	sadd.s32 s4, s19  }
0x9c: {  	s7 =	simm.s32 $0x0;
	s20 =	sshll.u32 s5, $0x1;
	s5 =	sadd.s32 s21, s3  }
0x9d: {  	[timem:s7], [sflag:s22] =	dma.local [hbm:s5], s20  }
0x9e: {  	_ =	swait.ge [sflag:s22], s20  }
0x9f: {  	s4 =	ssub.s32 $0x0, s20;
	[sflag:s22] =	ssyncset.done $0x0  }
0xa0: {  	[sflag:s22] =	ssyncadd.s32 s4;
	_ =	sdelay $0x1  }
0xa1: {  	s23 =	simm.s32 $0x1B8B  }
0xa2: {  	_ =	swait.ge [sflag:s23], $0x1  }
0xa3: {  	[sflag:s23] =	ssyncset.done $0x0  }
0xa4: {  	s25 =	simm.s32 $0x1B8E;
	s24 =	sld [smem:$0x3FFE];
	[sflag:s23] =	ssyncadd.s32 $0xFFFFFFFF  }
0xa5: {  	s26 =	simm.s32 $execute0_lowered;
	[smem:$0x3FD2] =	sst s25  }
0xa6: {  	s5 =	sshll.u32 s26, $0x1;
	_ =	strace $0x80000049;
	[dreg:$0x1] =	wrdreg $0xFFFFFFFF  }
0xa7: {  	s28 =	simm.s32 $_size_execute0_lowered;
	s3 =	sadd.s32 s3, s5;
	[dreg:$0x0] =	wrdreg $0x0  }
0xa8: {  	s5 =	sshll.u32 s28, $0x1;
	[dreg:$0x2] =	wrdreg s3  }
0xa9: {  	[dreg:$0x3] =	wrdreg s5  }
0xaa: {  	[dreg:$0x4] =	wrdreg $0xC0  }
0xab: {  	_ =	task [dreg:s7], $0x5FFFF  }
0xac: {  	[dreg:$0x1] =	wrdreg $0xFFFFFFFF  }
0xad: {  	[dreg:$0x0] =	wrdreg $0x60  }
0xae: {  	[dreg:$0x2] =	wrdreg s24  }
0xaf: {  	[dreg:$0x3] =	wrdreg s2  }
0xb0: {  	[dreg:$0x4] =	wrdreg $0x90000  }
0xb1: {  	[dreg:$0x5] =	wrdreg $0x9  }
0xb2: {  	_ =	task.clear_ibuf [dreg:s7], $0x6FFFF;
	_ =	strace $0x90000049  }
0xb3: {  	s29 =	simm.s32 $0x9;
	_ =	strace $0x8000004B  }
0xb4: {  	_ =	swait.ge [sflag:s29], $0x1  }
0xb5: {  	[sflag:s29] =	ssyncadd.s32 $0xFFFFFFFF  }
0xb6: {  	_ =	strace $0x9000004B  }
0xb7: {  	_ =	sfence  }
0xb8: {  	s30 =	sld [smem:$0x0];
	_ =	sdelay $0x2  }
0xb9: {  	s31 =	sshll.u32 s1, $0xD;
	s1 =	sshrl.u32 s1, $0x2  }
0xba: {  	s3 =	sand.u32 $0x4000, s31;
	s1 =	sadd.s32 s1, s30  }
0xbb: {  	s0 =	sor.u32 s3, s0;
	s1 =	sshll.u32 s1, $0x11  }
0xbc: {  	s0 =	sor.u32 s1, s0  }
0xbd: {  	s0 =	sadd.s32 $0x8F2B, s0  }
0xbe: {  	[sflag:s0] =	ssyncadd.remote.s32 $0x1  }
0xbf: {  	_ =	sfence.sel $0xFFFF  }
0xc0: {  	[dreg:$0x0] =	wrdreg $0xFFFFFFFF;
	(pc) =	sbr.abs _section_cstart, $3  }
0xc1: {  	[dreg:$0x1] =	wrdreg $0xFFFFFFFF  }
0xc2: {  	_ =	task.clear_ibuf [dreg:s7], $0x2FFFF;
	_ =	strace $0x9FFFFFFF  }
0xc3: {  	(tm) =	ssettm $0x7FFFFFFF  }
tec
execute0_lowered:
.L_overlay_start_1:
0x0: {  	(tag) =	ssettag $0x1  }
0x1: {  	s4 =	rddreg [dreg:$0x0]  }
0x2: {  	s1 =	rddreg [dreg:$0x1]  }
0x3: {  	s2 =	rddreg [dreg:$0x2]  }
0x4: {  	s5 =	srdreg.scid;
	s0 =	rddreg [dreg:$0x3]  }
0x5: {  	s3 =	simm.s32 $0x0;
	s10 =	stileid.u32;
	s17 =	simm.s32 $0x50  }
0x6: {  	s18 =	simm.s32 $0x2;
	s19 =	simm.s32 $0x3E00;
	s20 =	simm.s32 $0x0  }
0x7: {  	s6 =	sand.u32 $0x1, s5;
	[smem:$0x7FF] =	sst s3;
	s11 =	smul.u32 $0x4E000, s10  }
0x8: {  	s7 =	sadd.s32 $0x9EF800, s4;
	s12 =	sadd.s32 $0x1A00, s4;
	s26 =	smul.u32 $0x13800, s10  }
0x9: {  	s15 =	sadd.s32 $0x138000, s2;
	s29 =	smul.u32 $0x27100, s10;
	s31 =	sshll.u32 s10, $0x6  }
0xa: {  	p0 =	sne.s32 s10, $0x0;
	s5 =	sshll.u32 s6, $0x4;
	s13 =	smul.u32 $0x138800, s6  }
0xb: {  	_ =	strace $0x8000004A;
	s9 =	ssub.s32 $0x2, s6;
	s6 =	smul.u32 $0x271000, s6  }
0xc: {  	s5 =	sor.u32 s10, s5;
	s25 =	sshrl.u32 s9, $0x1;
	s11 =	sshrl.u32 s11, $0x2  }
0xd: {  	s10 =	simm.s32 $0x3;
	s8 =	sshll.u32 s5, $0xB;
	s5 =	smul.u32 $0x27100, s5  }
0xe: {  	s9 =	ssub.s32 s9, s25;
	s14 =	sadd.s32 s11, s2;
	s28 =	sshrl.u32 s13, $0x3  }
0xf: {  	s16 =	sadd.s32 s6, s7;
	s8 =	sadd.s32 s8, s4;
	s11 =	sadd.s32 s12, s28  }
0x10: {  	s30 =	sadd.s32 s29, s16;
	s16 =	simm.s32 $0x1;
	s4 =	sadd.s32 $0x9DF800, s8  }
0x11: {  	s5 =	sadd.s32 s7, s5;
	s8 =	sadd.s32 s26, s13;
	s7 =	sadd.s32 $0x27000, s11  }
0x12: {  	s11 =	sor.u32 $0x1C03, s31;
	s13 =	sshrl.u32 @!p0 s15, $0x3;
	s8 =	sshrl.u32 s8, $0x3  }
0x13: {  	s15 =	simm.s32 $0x6800;
	s6 =	sadd.s32 s12, s8;
	s8 =	smax.u32 s9, $0x1  }
0x14: {  	s9 =	sadd.s32 $0xA00, s30;
	s12 =	sshrl.u32 s14, $0x3;
	s14 =	simm.s32 $0x4000  }
.LBB2_1:
0x15: {  	[tilespmem:s3], [sflag:$0x3] =	stream.linear.gather [hbm4b:s4+s3], $0x3E80, $0x38;
	[tilespmem:$0x1C880] =	vst v63  }
0x16: {  	_ =	swait.ge [sflag:s10], $0x3E80  }
0x17: {  	[sflag:s10] =	ssyncset.done $0x0  }
0x18: {  	[sflag:s10] =	ssyncadd.s32 $0xFFFFC180  }
0x19: {  	[spmem:s12], [sflag:s11] =	dma.local [hbm:s1], $0x2700  }
0x1a: {  	_ =	swait.ge [sflag:s10], $0x2700  }
0x1b: {  	[sflag:s10] =	ssyncset.done $0x0  }
0x1c: {  	s21 =	simm.s32 @!p0 $0x3;
	[sflag:s10] =	ssyncadd.s32 $0xFFFFD900  }
0x1d: {  	[spmem:s13], [sflag:s11] =	dma.local @!p0 [hbm:s1], $0x100  }
0x1e: {  	_ =	swait.ge @!p0 [sflag:s21], $0x100  }
0x1f: {  	[sflag:s21] =	ssyncset.done @!p0 $0x0  }
0x20: {  	[sflag:s21] =	ssyncadd.s32 @!p0 $0xFFFFFF00  }
0x21: {  	[bflag:$0x0] =	sbarrier.arrive $0xFFFF  }
0x22: {  	[tilespmem:s14], [sflag:$0x1] =	stream.linear.gather [hbm4b:s5+s3], $0x2800, $0x38;
	[tilespmem:$0x1C880] =	vst v63  }
0x23: {  	s29 =	sadd.s32 $0xFFFFFB00, s9  }
0x24: {  	[tilespmem:s15], [sflag:$0x2] =	stream.linear.gather [hbm4b:s29+s3], $0x2800, $0x38;
	[tilespmem:$0x1C880] =	vst v63  }
0x25: {  	_ =	swait.ge [sflag:s16], $0x2800  }
0x26: {  	[sflag:s16] =	ssyncset.done $0x0  }
0x27: {  	s30 =	simm.s32 $0x0;
	[sflag:s16] =	ssyncadd.s32 $0xFFFFD800  }
0x28: {  	[spmem:s2] =	stream.indirect.scatter.add.f32 [tilespmem:s14], [sflag:$0x3], $0x80, s30, s17, $0xb8;
	[tilespmem:$0x1C880] =	vst v63  }
0x29: {  	_ =	swait.ge [sflag:s10], $0x2800  }
0x2a: {  	[sflag:s10] =	ssyncset.done $0x0  }
0x2b: {  	[sflag:s10] =	ssyncadd.s32 $0xFFFFD800  }
0x2c: {  	[tilespmem:s14], [sflag:$0x1] =	stream.linear.gather [hbm4b:s9+s3], $0x2800, $0x38;
	[tilespmem:$0x1C880] =	vst v63  }
0x2d: {  	_ =	swait.ge [sflag:s18], $0x2800  }
0x2e: {  	[sflag:s18] =	ssyncset.done $0x0  }
0x2f: {  	s31 =	simm.s32 $0x80;
	[sflag:s18] =	ssyncadd.s32 $0xFFFFD800  }
0x30: {  	[spmem:s2] =	stream.indirect.scatter.add.f32 [tilespmem:s15], [sflag:$0x3], $0x80, s31, s17, $0xb8;
	[tilespmem:$0x1C880] =	vst v63  }
0x31: {  	s22 =	simm.s32 $0x400;
	_ =	swait.ge [sflag:s10], $0x2800  }
0x32: {  	s23 =	simm.s32 $0x800;
	s21 =	sadd.s32 $0xA00, s9;
	[sflag:s10] =	ssyncset.done $0x0  }
.LBB2_2:
0x33: {  	p1 =	sne.s32 s23, $0xF400;
	s24 =	sadd.s32 $0xFFFFFB00, s21;
	[sflag:s10] =	ssyncadd.s32 $0xFFFFD800  }
0x34: {  	[tilespmem:s15], [sflag:$0x2] =	stream.linear.gather [hbm4b:s24+s3], $0x2800, $0x38;
	[tilespmem:$0x1C880] =	vst v63  }
0x35: {  	s24 =	smov.u32 s23;
	s23 =	sadd.s32 $0x400, s23;
	_ =	swait.ge [sflag:s16], $0x2800  }
0x36: {  	[sflag:s16] =	ssyncset.done $0x0  }
0x37: {  	s25 =	sshra.s32 s22, $0x2;
	s22 =	smov.u32 s24;
	[sflag:s16] =	ssyncadd.s32 $0xFFFFD800  }
0x38: {  	[spmem:s2] =	stream.indirect.scatter.add.f32 [tilespmem:s14], [sflag:$0x3], $0x80, s25, s17, $0xb8;
	[tilespmem:$0x1C880] =	vst v63  }
0x39: {  	_ =	swait.ge [sflag:s10], $0x2800  }
0x3a: {  	[sflag:s10] =	ssyncset.done $0x0  }
0x3b: {  	[sflag:s10] =	ssyncadd.s32 $0xFFFFD800  }
0x3c: {  	[tilespmem:s14], [sflag:$0x1] =	stream.linear.gather [hbm4b:s21+s3], $0x2800, $0x38;
	[tilespmem:$0x1C880] =	vst v63  }
0x3d: {  	_ =	swait.ge [sflag:s18], $0x2800  }
.Ltmp0:
0x3e: {  	[sflag:s18] =	ssyncset.done $0x0;
	(pc) =	sbr.rel @p1 .LBB2_2-.Ltmp0, $4  }
0x3f: {  	s24 =	sadd.s32 $0x80, s25;
	[sflag:s18] =	ssyncadd.s32 $0xFFFFD800  }
0x40: {  	[spmem:s2] =	stream.indirect.scatter.add.f32 [tilespmem:s15], [sflag:$0x3], $0x80, s24, s17, $0xb8;
	[tilespmem:$0x1C880] =	vst v63  }
0x41: {  	_ =	swait.ge [sflag:s10], $0x2800  }
0x42: {  	s21 =	sadd.s32 $0xA00, s21;
	[sflag:s10] =	ssyncset.done $0x0  }
0x43: {  	s23 =	sadd.s32 $0xFFFFFB00, s21;
	[sflag:s10] =	ssyncadd.s32 $0xFFFFD800  }
0x44: {  	[tilespmem:s15], [sflag:$0x2] =	stream.linear.gather [hbm4b:s23+s3], $0x2800, $0x38;
	[tilespmem:$0x1C880] =	vst v63  }
0x45: {  	_ =	swait.ge [sflag:s16], $0x2800  }
0x46: {  	[sflag:s16] =	ssyncset.done $0x0  }
0x47: {  	s22 =	sshra.s32 s22, $0x2;
	[sflag:s16] =	ssyncadd.s32 $0xFFFFD800  }
0x48: {  	[spmem:s2] =	stream.indirect.scatter.add.f32 [tilespmem:s14], [sflag:$0x3], $0x80, s22, s17, $0xb8;
	[tilespmem:$0x1C880] =	vst v63  }
0x49: {  	_ =	swait.ge [sflag:s10], $0x2800  }
0x4a: {  	[sflag:s10] =	ssyncset.done $0x0  }
0x4b: {  	[sflag:s10] =	ssyncadd.s32 $0xFFFFD800  }
0x4c: {  	[tilespmem:s14], [sflag:$0x1] =	stream.linear.gather [hbm4b:s21+s3], $0x2800, $0x38;
	[tilespmem:$0x1C880] =	vst v63  }
0x4d: {  	_ =	swait.ge [sflag:s18], $0x2800  }
0x4e: {  	[sflag:s18] =	ssyncset.done $0x0  }
0x4f: {  	s31 =	sadd.s32 $0x80, s22;
	[sflag:s18] =	ssyncadd.s32 $0xFFFFD800  }
0x50: {  	[spmem:s2] =	stream.indirect.scatter.add.f32 [tilespmem:s15], [sflag:$0x3], $0x80, s31, s17, $0xb8;
	[tilespmem:$0x1C880] =	vst v63  }
0x51: {  	_ =	swait.ge [sflag:s10], $0x2800  }
0x52: {  	[sflag:s10] =	ssyncset.done $0x0  }
0x53: {  	[sflag:s10] =	ssyncadd.s32 $0xFFFFD800  }
0x54: {  	_ =	swait.ge [sflag:s16], $0x2800  }
0x55: {  	[sflag:s16] =	ssyncset.done $0x0  }
0x56: {  	[sflag:s16] =	ssyncadd.s32 $0xFFFFD800  }
0x57: {  	[spmem:s2] =	stream.indirect.scatter.add.f32 [tilespmem:s14], [sflag:$0x3], $0x80, s19, s17, $0xb8;
	[tilespmem:$0x1C880] =	vst v63  }
0x58: {  	_ =	swait.ge [sflag:s10], $0x2800  }
0x59: {  	[sflag:s10] =	ssyncset.done $0x0  }
0x5a: {  	[sflag:s10] =	ssyncadd.s32 $0xFFFFD800  }
0x5b: {  	[bflag:$0x0] =	sbarrier.arrive $0xFFFF  }
0x5c: {  	[hbm:s6], [sflag:s11] =	dma.local [spmem:s12], $0x2700  }
0x5d: {  	s20 =	sadd.s32 $0x1, s20;
	_ =	swait.ge [sflag:s10], $0x2700  }
0x5e: {  	p1 =	sne.s32 s20, s8;
	[sflag:s10] =	ssyncset.done $0x0  }
.Ltmp1:
0x5f: {  	s21 =	simm.s32 @!p0 $0x3;
	[sflag:s10] =	ssyncadd.s32 $0xFFFFD900;
	(pc) =	sbr.rel @p1 .LBB2_1-.Ltmp1, $4  }
0x60: {  	[hbm:s7], [sflag:s11] =	dma.local @!p0 [spmem:s13], $0x100  }
0x61: {  	_ =	swait.ge @!p0 [sflag:s21], $0x100  }
0x62: {  	[sflag:s21] =	ssyncset.done @!p0 $0x0  }
0x63: {  	[sflag:s21] =	ssyncadd.s32 @!p0 $0xFFFFFF00  }
0x64: {  	_ =	sfence.sel $0x180000  }
0x65: {  	[bflag:$0x0] =	sbarrier.arrive $0xFFFF  }
0x66: {  	_ =	strace $0x9000004A  }
0x67: {  	s0 =	sadd.s32 @!p0 $0x100000, s0;
	[bflag:$0x2] =	sbarrier.arrive $0xFFFF  }
0x68: {  	[sflag:s0] =	ssyncadd.tile.s32 @!p0 $0x1;
	_ =	shalt  }
.Lfunc_end2:
_tile_overlayer_lowered:
.L_overlay_start_2:
0x69: {  	(tag) =	ssettag $0x2  }
0x6a: {  	s0 =	rddreg [dreg:$0x0];
	s2 =	stileid.u32  }
0x6b: {  	s1 =	rddreg [dreg:$0x1];
	p0 =	sne.s32 s2, $0x0  }
0x6c: {  	s3 =	rddreg [dreg:$0x2];
	[bflag:$0x3] =	sbarrier.arrive $0xFFFF;
	s2 =	simm.s32 @!p0 $0x1C03  }
0x6d: {  	[timem:s3], [sflag:s2] =	dma.local @!p0 [hbm:s0], s1  }
0x6e: {  	s0 =	simm.s32 @!p0 $0x3  }
0x6f: {  	_ =	swait.ge @!p0 [sflag:s0], s1  }
0x70: {  	s1 =	ssub.s32 @!p0 $0x0, s1;
	[sflag:s0] =	ssyncset.done @!p0 $0x0  }
0x71: {  	[sflag:s0] =	ssyncadd.s32 @!p0 s1  }
0x72: {  	[bflag:$0x3] =	sbarrier.arrive $0xFFFF  }
0x73: {  	_ =	shalt  }

// kernel: kernel.7.cloned.1.call-start
scs
__scs_entry_jumppad:
0x0: {  	(pc) =	sbr.rel $0x88, $3  }
0x1: {  	(tag) =	ssettag $0x0;
	lr =	simm.s32 $0x1  }
0x2: {  	[smem:$0x3F96] =	sst lr;
	_ =	strace $0xD0000000  }
0x3: {  	_ = 	snop  }
0x4: {  	_ = 	snop  }
0x5: {  	_ = 	snop  }
0x6: {  	_ = 	snop  }
0x7: {  	_ = 	snop  }
__scs_overlays_trampoline_lowered:
0x8: {  	[smem:$0x3FA5] =	sst s0  }
0x9: {  	[smem:$0x3FA6] =	sst s1  }
0xa: {  	[smem:$0x3FA7] =	sst s2  }
0xb: {  	[smem:$0x3FA8] =	sst s3  }
0xc: {  	[smem:$0x3FA9] =	sst s4  }
0xd: {  	[smem:$0x3FAA] =	sst s5  }
0xe: {  	[smem:$0x3FAB] =	sst s6  }
0xf: {  	[smem:$0x3FAC] =	sst s7  }
0x10: {  	[smem:$0x3FAD] =	sst s8  }
0x11: {  	[smem:$0x3FAE] =	sst s9;
	s0 =	simm.s32 @!p0 $0x0  }
0x12: {  	s1 =	sld [smem:$0x3F94];
	s0 =	simm.s32 @p0 $0x1  }
0x13: {  	[smem:$0x3FAF] =	sst s0;
	s0 =	simm.s32 @!p1 $0x0  }
0x14: {  	s2 =	sld [smem:$0x3F93];
	s0 =	simm.s32 @p1 $0x1  }
0x15: {  	[smem:$0x3FB0] =	sst s0;
	s0 =	simm.s32 @!p2 $0x0  }
0x16: {  	s3 =	sld [smem:$0x3FDB];
	s0 =	simm.s32 @p2 $0x1  }
0x17: {  	s4 =	simm.s32 $0x1BF5;
	[smem:$0x3FB2] =	sst s0  }
0x18: {  	s0 =	sld [smem:$0x3F95];
	_ =	swait.ge [sflag:s4], $0x0  }
0x19: {  	s7 =	sld [smem:$0x3F96]  }
0x1a: {  	s8 =	sadd.s32 $0xFFFFE003, lr  }
0x1b: {  	s9 =	sadd.s32 $0xFFFFFEF7, lr;
	s5 =	simm.s32 $0xFFFFFFFF;
	p2 =	slt.u32 s8, $0xFFFFF086  }
0x1c: {  	p1 =	slt.u32 s9, $0xF7A;
	s5 =	simm.s32 @!p2 $0x0  }
0x1d: {  	s5 =	simm.s32 @p1 $0x1;
	p0 =	seq.s32 s7, s2  }
0x1e: {  	s7 =	smul.u32 @!p0 $0xF7A, s2;
	p2 =	seq.s32 @!p0 s5, $0x0  }
0x1f: {  	s9 =	smul.u32 $0xF7A, s1;
	s8 =	simm.s32 @!p0 $0x1BF5;
	p2 =	por !p2, p0  }
0x20: {  	[sflag:s8] =	ssyncset.s32 @!p0 $0xFFFFF086;
	s6 =	sadd.s32 @!p0 s3, s7;
	s7 =	simm.s32 @!p0 $0x108  }
0x21: {  	s3 =	sadd.s32 s3, s9;
	s6 =	sadd.s32 @!p0 $0x88, s6;
	s7 =	simm.s32 @p2 $0x1082  }
0x22: {  	[simem:s7], [sflag:s8] =	dma.local @!p0 [hbm:s6], $0xF7A  }
0x23: {  	s9 =	sor.u32 $0xD0000000, s2;
	s6 =	simm.s32 $0x108;
	_ =	swait.ge @!p0 [sflag:s8], $0x0  }
0x24: {  	s3 =	sadd.s32 $0x88, s3;
	s6 =	simm.s32 @!p1 $0x1082;
	[sflag:s4] =	ssyncset.s32 $0xFFFFF086  }
0x25: {  	[simem:s6], [sflag:s4] =	dma.local [hbm:s3], $0xF7A  }
0x26: {  	[smem:$0x3F96] =	sst s1;
	(tag) =	ssettag s2;
	_ =	strace s9  }
0x27: {  	s1 =	sld [smem:$0x3FA6]  }
0x28: {  	s2 =	sld [smem:$0x3FA7]  }
0x29: {  	s4 =	sld [smem:$0x3FA9]  }
0x2a: {  	p0 =	seq.s32 s5, $0x0;
	s5 =	sld [smem:$0x3FAA]  }
0x2b: {  	s6 =	sld [smem:$0x3FAB]  }
0x2c: {  	s7 =	sld [smem:$0x3FAC]  }
0x2d: {  	s3 =	simm.s32 $0x108;
	s8 =	sld [smem:$0x3FAD]  }
0x2e: {  	s3 =	simm.s32 @!p0 $0x1082;
	s9 =	sld [smem:$0x3FAE]  }
0x2f: {  	lr =	sadd.s32 s0, s3;
	s0 =	sld [smem:$0x3FA5]  }
0x30: {  	s3 =	sld [smem:$0x3FA8]  }
0x31: {  	[smem:$0x3FB1] =	sst s10  }
0x32: {  	s10 =	sld [smem:$0x3FAF];
	_ =	sdelay $0x3  }
0x33: {  	p0 =	seq.s32 s10, $0x1;
	s10 =	sld [smem:$0x3FB1];
	_ =	sdelay $0x3  }
0x34: {  	[smem:$0x3FB1] =	sst s10  }
0x35: {  	s10 =	sld [smem:$0x3FB0];
	_ =	sdelay $0x3  }
0x36: {  	p1 =	seq.s32 s10, $0x1;
	s10 =	sld [smem:$0x3FB1];
	_ =	sdelay $0x3  }
0x37: {  	[smem:$0x3FB1] =	sst s10  }
0x38: {  	s10 =	sld [smem:$0x3FB2]  }
0x39: {  	_ = 	snop;
	(pc) =	sbr.ind lr, $3  }
0x3a: {  	_ = 	snop  }
0x3b: {  	_ = 	snop  }
0x3c: {  	p2 =	seq.s32 s10, $0x1;
	s10 =	sld [smem:$0x3FB1]  }
0x3d: {  	_ =	shalt  }
0x3e: {  	_ =	shalt  }
0x3f: {  	_ =	shalt  }
0x40: {  	_ =	shalt  }
0x41: {  	_ =	shalt  }
0x42: {  	_ =	shalt  }
0x43: {  	_ =	shalt  }
0x44: {  	_ =	shalt  }
0x45: {  	_ =	shalt  }
0x46: {  	_ =	shalt  }
0x47: {  	_ =	shalt  }
0x48: {  	_ =	shalt  }
0x49: {  	_ =	shalt  }
0x4a: {  	_ =	shalt  }
0x4b: {  	_ =	shalt  }
0x4c: {  	_ =	shalt  }
0x4d: {  	_ =	shalt  }
0x4e: {  	_ =	shalt  }
0x4f: {  	_ =	shalt  }
0x50: {  	_ =	shalt  }
0x51: {  	_ =	shalt  }
0x52: {  	_ =	shalt  }
0x53: {  	_ =	shalt  }
0x54: {  	_ =	shalt  }
0x55: {  	_ =	shalt  }
0x56: {  	_ =	shalt  }
0x57: {  	_ =	shalt  }
0x58: {  	_ =	shalt  }
0x59: {  	_ =	shalt  }
0x5a: {  	_ =	shalt  }
0x5b: {  	_ =	shalt  }
0x5c: {  	_ =	shalt  }
0x5d: {  	_ =	shalt  }
0x5e: {  	_ =	shalt  }
0x5f: {  	_ =	shalt  }
0x60: {  	_ =	shalt  }
0x61: {  	_ =	shalt  }
0x62: {  	_ =	shalt  }
0x63: {  	_ =	shalt  }
0x64: {  	_ =	shalt  }
0x65: {  	_ =	shalt  }
0x66: {  	_ =	shalt  }
0x67: {  	_ =	shalt  }
0x68: {  	_ =	shalt  }
0x69: {  	_ =	shalt  }
0x6a: {  	_ =	shalt  }
0x6b: {  	_ =	shalt  }
0x6c: {  	_ =	shalt  }
0x6d: {  	_ =	shalt  }
0x6e: {  	_ =	shalt  }
0x6f: {  	_ =	shalt  }
0x70: {  	_ =	shalt  }
0x71: {  	_ =	shalt  }
0x72: {  	_ =	shalt  }
0x73: {  	_ =	shalt  }
0x74: {  	_ =	shalt  }
0x75: {  	_ =	shalt  }
0x76: {  	_ =	shalt  }
0x77: {  	_ =	shalt  }
0x78: {  	_ =	shalt  }
0x79: {  	_ =	shalt  }
0x7a: {  	_ =	shalt  }
0x7b: {  	_ =	shalt  }
0x7c: {  	_ =	shalt  }
0x7d: {  	_ =	shalt  }
0x7e: {  	_ =	shalt  }
0x7f: {  	_ =	shalt  }
0x80: {  	_ =	shalt  }
0x81: {  	_ =	shalt  }
0x82: {  	_ =	shalt  }
0x83: {  	_ =	shalt  }
0x84: {  	_ =	shalt  }
0x85: {  	_ =	shalt  }
0x86: {  	_ =	shalt  }
0x87: {  	_ =	shalt  }
.Lfunc_end0:
.L_simem_size_0:
called_computation_lowered:
.L_overlay_start_0:
0x88: {  	s2 =	sld [smem:$0x3FD9]  }
0x89: {  	s3 =	sld [smem:$0x3FFE];
	_ =	sdelay $0x1  }
0x8a: {  	s1 =	srdreg.scid  }
0x8b: {  	s0 =	sand.u32 $0x1, s1  }
0x8c: {  	s17 =	sshll.u32 s0, $0xA;
	s2 =	sadd.s32 s3, s2  }
0x8d: {  	s2 =	sadd.s32 s2, s17  }
0x8e: {  	[smem:$0x3FBD] =	sst s2  }
0x8f: {  	_ = 	snop  }
0x90: {  	s2 =	sld [smem:$0x3FD0];
	(tm) =	ssettm $0x1  }
0x91: {  	s18 =	sld [smem:$0x3FFB];
	_ =	sdelay $0x3  }
0x92: {  	_ =	strace s18  }
0x93: {  	s3 =	sld [smem:$0x3FFC];
	_ =	sdelay $0x3  }
0x94: {  	_ =	strace s3  }
0x95: {  	s3 =	sld [smem:$0x3FFD];
	_ =	sdelay $0x3  }
0x96: {  	_ =	strace s3  }
0x97: {  	_ =	strace $0x8FFFFFFF  }
0x98: {  	s19 =	sld [smem:$0x3FDB];
	_ =	sdelay $0x1  }
0x99: {  	s4 =	simm.s32 $_scs_section_size  }
0x9a: {  	s5 =	simm.s32 $_size__tile_overlayer_lowered;
	s6 =	simm.s32 $_tile_overlayer_lowered  }
0x9b: {  	s22 =	simm.s32 $0x1BFF;
	s21 =	sshll.u32 s6, $0x1;
	s3 =	sadd.s32 s4, s19  }
0x9c: {  	s7 =	simm.s32 $0x0;
	s20 =	sshll.u32 s5, $0x1;
	s5 =	sadd.s32 s21, s3  }
0x9d: {  	[timem:s7], [sflag:s22] =	dma.local [hbm:s5], s20  }
0x9e: {  	_ =	swait.ge [sflag:s22], s20  }
0x9f: {  	s4 =	ssub.s32 $0x0, s20;
	[sflag:s22] =	ssyncset.done $0x0  }
0xa0: {  	[sflag:s22] =	ssyncadd.s32 s4;
	_ =	sdelay $0x1  }
0xa1: {  	s23 =	simm.s32 $0x1B8B  }
0xa2: {  	_ =	swait.ge [sflag:s23], $0x1  }
0xa3: {  	[sflag:s23] =	ssyncset.done $0x0  }
0xa4: {  	s25 =	simm.s32 $0x1B8E;
	s24 =	sld [smem:$0x3FFE];
	[sflag:s23] =	ssyncadd.s32 $0xFFFFFFFF  }
0xa5: {  	s26 =	simm.s32 $execute0_lowered;
	[smem:$0x3FD2] =	sst s25  }
0xa6: {  	s5 =	sshll.u32 s26, $0x1;
	_ =	strace $0x80000046;
	[dreg:$0x1] =	wrdreg $0xFFFFFFFF  }
0xa7: {  	s28 =	simm.s32 $_size_execute0_lowered;
	s3 =	sadd.s32 s3, s5;
	[dreg:$0x0] =	wrdreg $0x0  }
0xa8: {  	s5 =	sshll.u32 s28, $0x1;
	[dreg:$0x2] =	wrdreg s3  }
0xa9: {  	[dreg:$0x3] =	wrdreg s5  }
0xaa: {  	[dreg:$0x4] =	wrdreg $0xC0  }
0xab: {  	_ =	task [dreg:s7], $0x5FFFF  }
0xac: {  	[dreg:$0x1] =	wrdreg $0xFFFFFFFF  }
0xad: {  	[dreg:$0x0] =	wrdreg $0x60  }
0xae: {  	[dreg:$0x2] =	wrdreg s2  }
0xaf: {  	[dreg:$0x3] =	wrdreg s24  }
0xb0: {  	[dreg:$0x4] =	wrdreg $0x9  }
0xb1: {  	_ =	task.clear_ibuf [dreg:s7], $0x5FFFF;
	_ =	strace $0x90000046  }
0xb2: {  	s29 =	simm.s32 $0x9;
	_ =	strace $0x80000048  }
0xb3: {  	_ =	swait.ge [sflag:s29], $0x1  }
0xb4: {  	[sflag:s29] =	ssyncadd.s32 $0xFFFFFFFF  }
0xb5: {  	_ =	strace $0x90000048  }
0xb6: {  	_ =	sfence  }
0xb7: {  	s30 =	sld [smem:$0x0];
	_ =	sdelay $0x2  }
0xb8: {  	s31 =	sshll.u32 s1, $0xD;
	s1 =	sshrl.u32 s1, $0x2  }
0xb9: {  	s3 =	sand.u32 $0x4000, s31;
	s1 =	sadd.s32 s1, s30  }
0xba: {  	s0 =	sor.u32 s3, s0;
	s1 =	sshll.u32 s1, $0x11  }
0xbb: {  	s0 =	sor.u32 s1, s0  }
0xbc: {  	s0 =	sadd.s32 $0x8F2B, s0  }
0xbd: {  	[sflag:s0] =	ssyncadd.remote.s32 $0x1  }
0xbe: {  	_ =	sfence.sel $0xFFFF  }
0xbf: {  	[dreg:$0x0] =	wrdreg $0xFFFFFFFF;
	(pc) =	sbr.abs _section_cstart, $3  }
0xc0: {  	[dreg:$0x1] =	wrdreg $0xFFFFFFFF  }
0xc1: {  	_ =	task.clear_ibuf [dreg:s7], $0x2FFFF;
	_ =	strace $0x9FFFFFFF  }
0xc2: {  	(tm) =	ssettm $0x7FFFFFFF  }
0xc3: {  	_ =	shalt  }
tec
execute0_lowered:
.L_overlay_start_1:
0x0: {  	(tag) =	ssettag $0x1  }
0x1: {  	s1 =	rddreg [dreg:$0x0]  }
0x2: {  	s4 =	rddreg [dreg:$0x1]  }
0x3: {  	s2 =	srdreg.scid;
	s0 =	rddreg [dreg:$0x2]  }
0x4: {  	s3 =	simm.s32 $0x0;
	s12 =	simm.s32 $0x1;
	s13 =	simm.s32 $0x2  }
0x5: {  	s14 =	simm.s32 $0x0;
	s5 =	sand.u32 $0x1, s2;
	[smem:$0x7FF] =	sst s3  }
0x6: {  	s2 =	stileid.u32;
	s8 =	sadd.s32 $0x1B800, s4;
	s6 =	sshll.u32 s5, $0x4  }
0x7: {  	_ =	strace $0x80000047;
	s29 =	ssub.s32 $0x2, s5;
	s10 =	smul.u32 $0x271000, s5  }
0x8: {  	s11 =	smul.u32 $0x27100, s2;
	s6 =	sor.u32 s2, s6;
	s9 =	sshrl.u32 s29, $0x1  }
0x9: {  	s7 =	sshll.u32 s6, $0xB;
	s6 =	smul.u32 $0x138800, s6;
	s9 =	ssub.s32 s29, s9  }
0xa: {  	s31 =	sadd.s32 s10, s8;
	s10 =	simm.s32 $0x4000;
	s7 =	sadd.s32 s7, s4  }
0xb: {  	s6 =	sshrl.u32 s6, $0x3;
	s4 =	sadd.s32 $0xB800, s7;
	s7 =	sadd.s32 s11, s31  }
0xc: {  	s11 =	simm.s32 $0x6800;
	s30 =	sadd.s32 s8, s6;
	s6 =	smax.u32 s9, $0x1  }
0xd: {  	s8 =	simm.s32 $0x3;
	s9 =	simm.s32 $0x50;
	s5 =	sadd.s32 $0x26C00, s30  }
.LBB2_1:
0xe: {  	[tilespmem:s3], [sflag:$0x3] =	stream.linear.gather [hbm4b:s4+s3], $0x3E80, $0x38;
	[tilespmem:$0x9000] =	vst v63  }
0xf: {  	_ =	swait.ge [sflag:s8], $0x3E80  }
0x10: {  	[sflag:s8] =	ssyncset.done $0x0  }
0x11: {  	[sflag:s8] =	ssyncadd.s32 $0xFFFFC180  }
0x12: {  	[tilespmem:s10], [sflag:$0x1] =	stream.indirect.gather [hbm4b:s1+s9], $0x80, s3, s9, $0xb8;
	[tilespmem:$0x9000] =	vst v63  }
0x13: {  	s15 =	simm.s32 $0x80  }
0x14: {  	[tilespmem:s11], [sflag:$0x2] =	stream.indirect.gather [hbm4b:s1+s9], $0x80, s15, s9, $0xb8;
	[tilespmem:$0x9000] =	vst v63  }
0x15: {  	_ =	swait.ge [sflag:s12], $0x2800  }
0x16: {  	[sflag:s12] =	ssyncset.done $0x0  }
0x17: {  	s31 =	sadd.s32 $0x0, s7;
	[sflag:s12] =	ssyncadd.s32 $0xFFFFD800  }
0x18: {  	[hbm4b:s31+s3] =	stream.linear.scatter [tilespmem:s10], [sflag:$0x3], $0x2800, $0x38;
	[tilespmem:$0x9000] =	vst v63  }
0x19: {  	_ =	swait.ge [sflag:s8], $0x2800  }
0x1a: {  	[sflag:s8] =	ssyncset.done $0x0  }
0x1b: {  	s16 =	simm.s32 $0x100;
	[sflag:s8] =	ssyncadd.s32 $0xFFFFD800  }
0x1c: {  	[tilespmem:s10], [sflag:$0x1] =	stream.indirect.gather [hbm4b:s1+s9], $0x80, s16, s9, $0xb8;
	[tilespmem:$0x9000] =	vst v63  }
0x1d: {  	_ =	swait.ge [sflag:s13], $0x2800  }
0x1e: {  	[sflag:s13] =	ssyncset.done $0x0  }
0x1f: {  	s15 =	sadd.s32 $0x500, s31;
	[sflag:s13] =	ssyncadd.s32 $0xFFFFD800  }
0x20: {  	[hbm4b:s15+s3] =	stream.linear.scatter [tilespmem:s11], [sflag:$0x3], $0x2800, $0x38;
	[tilespmem:$0x9000] =	vst v63  }
0x21: {  	s17 =	simm.s32 $0x1400;
	_ =	swait.ge [sflag:s8], $0x2800  }
0x22: {  	s16 =	simm.s32 $0xA00;
	s15 =	simm.s32 $0x200;
	[sflag:s8] =	ssyncset.done $0x0  }
.LBB2_2:
0x23: {  	p0 =	sne.s32 s17, $0x26200;
	s18 =	sadd.s32 $0xFFFFFF80, s15;
	[sflag:s8] =	ssyncadd.s32 $0xFFFFD800  }
0x24: {  	[tilespmem:s11], [sflag:$0x2] =	stream.indirect.gather [hbm4b:s1+s9], $0x80, s18, s9, $0xb8;
	[tilespmem:$0x9000] =	vst v63  }
0x25: {  	s18 =	smov.u32 s17;
	s17 =	sadd.s32 $0xA00, s17;
	_ =	swait.ge [sflag:s12], $0x2800  }
0x26: {  	[sflag:s12] =	ssyncset.done $0x0  }
0x27: {  	s19 =	sadd.s32 s16, s7;
	s16 =	smov.u32 s18;
	[sflag:s12] =	ssyncadd.s32 $0xFFFFD800  }
0x28: {  	[hbm4b:s19+s3] =	stream.linear.scatter [tilespmem:s10], [sflag:$0x3], $0x2800, $0x38;
	[tilespmem:$0x9000] =	vst v63  }
0x29: {  	_ =	swait.ge [sflag:s8], $0x2800  }
0x2a: {  	[sflag:s8] =	ssyncset.done $0x0  }
0x2b: {  	[sflag:s8] =	ssyncadd.s32 $0xFFFFD800  }
0x2c: {  	[tilespmem:s10], [sflag:$0x1] =	stream.indirect.gather [hbm4b:s1+s9], $0x80, s15, s9, $0xb8;
	[tilespmem:$0x9000] =	vst v63  }
0x2d: {  	_ =	swait.ge [sflag:s13], $0x2800  }
.Ltmp0:
0x2e: {  	[sflag:s13] =	ssyncset.done $0x0;
	(pc) =	sbr.rel @p0 .LBB2_2-.Ltmp0, $4  }
0x2f: {  	s18 =	sadd.s32 $0x500, s19;
	[sflag:s13] =	ssyncadd.s32 $0xFFFFD800  }
0x30: {  	[hbm4b:s18+s3] =	stream.linear.scatter [tilespmem:s11], [sflag:$0x3], $0x2800, $0x38;
	[tilespmem:$0x9000] =	vst v63  }
0x31: {  	_ =	swait.ge [sflag:s8], $0x2800  }
0x32: {  	s15 =	sadd.s32 $0x100, s15;
	[sflag:s8] =	ssyncset.done $0x0  }
0x33: {  	s17 =	sadd.s32 $0xFFFFFF80, s15;
	[sflag:s8] =	ssyncadd.s32 $0xFFFFD800  }
0x34: {  	[tilespmem:s11], [sflag:$0x2] =	stream.indirect.gather [hbm4b:s1+s9], $0x80, s17, s9, $0xb8;
	[tilespmem:$0x9000] =	vst v63  }
0x35: {  	_ =	swait.ge [sflag:s12], $0x2800  }
0x36: {  	[sflag:s12] =	ssyncset.done $0x0  }
0x37: {  	s16 =	sadd.s32 s16, s7;
	[sflag:s12] =	ssyncadd.s32 $0xFFFFD800  }
0x38: {  	[hbm4b:s16+s3] =	stream.linear.scatter [tilespmem:s10], [sflag:$0x3], $0x2800, $0x38;
	[tilespmem:$0x9000] =	vst v63  }
0x39: {  	_ =	swait.ge [sflag:s8], $0x2800  }
0x3a: {  	[sflag:s8] =	ssyncset.done $0x0  }
0x3b: {  	[sflag:s8] =	ssyncadd.s32 $0xFFFFD800  }
0x3c: {  	[tilespmem:s10], [sflag:$0x1] =	stream.indirect.gather [hbm4b:s1+s9], $0x80, s15, s9, $0xb8;
	[tilespmem:$0x9000] =	vst v63  }
0x3d: {  	_ =	swait.ge [sflag:s13], $0x2800  }
0x3e: {  	[sflag:s13] =	ssyncset.done $0x0  }
0x3f: {  	s31 =	sadd.s32 $0x500, s16;
	[sflag:s13] =	ssyncadd.s32 $0xFFFFD800  }
0x40: {  	[hbm4b:s31+s3] =	stream.linear.scatter [tilespmem:s11], [sflag:$0x3], $0x2800, $0x38;
	[tilespmem:$0x9000] =	vst v63  }
0x41: {  	_ =	swait.ge [sflag:s8], $0x2800  }
0x42: {  	[sflag:s8] =	ssyncset.done $0x0  }
0x43: {  	[sflag:s8] =	ssyncadd.s32 $0xFFFFD800  }
0x44: {  	s14 =	sadd.s32 $0x1, s14;
	_ =	swait.ge [sflag:s12], $0x2800  }
0x45: {  	p0 =	sne.s32 s14, s6;
	[sflag:s12] =	ssyncset.done $0x0  }
.Ltmp1:
0x46: {  	[sflag:s12] =	ssyncadd.s32 $0xFFFFD800;
	(pc) =	sbr.rel @p0 .LBB2_1-.Ltmp1, $4  }
0x47: {  	[hbm4b:s5+s3] =	stream.linear.scatter [tilespmem:s10], [sflag:$0x3], $0x2800, $0x38;
	[tilespmem:$0x9000] =	vst v63  }
0x48: {  	_ =	swait.ge [sflag:s8], $0x2800  }
0x49: {  	[sflag:s8] =	ssyncset.done $0x0  }
0x4a: {  	[sflag:s8] =	ssyncadd.s32 $0xFFFFD800  }
0x4b: {  	_ =	sfence.sel $0x180000  }
0x4c: {  	[bflag:$0x0] =	sbarrier.arrive $0xFFFF  }
0x4d: {  	p0 =	sne.s32 s2, $0x0;
	_ =	strace $0x90000047  }
0x4e: {  	s0 =	sadd.s32 @!p0 $0x100000, s0;
	[bflag:$0x2] =	sbarrier.arrive $0xFFFF  }
0x4f: {  	[sflag:s0] =	ssyncadd.tile.s32 @!p0 $0x1;
	_ =	shalt  }
.Lfunc_end2:
_tile_overlayer_lowered:
.L_overlay_start_2:
0x50: {  	(tag) =	ssettag $0x2  }
0x51: {  	s0 =	rddreg [dreg:$0x0];
	s2 =	stileid.u32  }
0x52: {  	s1 =	rddreg [dreg:$0x1];
	p0 =	sne.s32 s2, $0x0  }
0x53: {  	s3 =	rddreg [dreg:$0x2];
	[bflag:$0x3] =	sbarrier.arrive $0xFFFF;
	s2 =	simm.s32 @!p0 $0x1C03  }
0x54: {  	[timem:s3], [sflag:s2] =	dma.local @!p0 [hbm:s0], s1  }
0x55: {  	s0 =	simm.s32 @!p0 $0x3  }
0x56: {  	_ =	swait.ge @!p0 [sflag:s0], s1  }
0x57: {  	s1 =	ssub.s32 @!p0 $0x0, s1;
	[sflag:s0] =	ssyncset.done @!p0 $0x0  }
0x58: {  	[sflag:s0] =	ssyncadd.s32 @!p0 s1  }
0x59: {  	[bflag:$0x3] =	sbarrier.arrive $0xFFFF  }
0x5a: {  	_ =	shalt  }

</sc_bundles>
